<compile_context>
chip_gen: v7x
topology: tpu7x:2x2x1
jax: 0.10.2.dev20260603
libtpu: 0.0.44.dev20260713+nightly
codegen_flags: <defaults>
</compile_context>

<pallas_src>
import functools

import jax
import jax.numpy as jnp
from jax import lax
from jax.experimental import pallas as pl
from jax.experimental.pallas import tpu as pltpu
from jax.experimental.pallas import tpu_sc as plsc

B = 128
N_LAYERS = 12
KEY_D = 768
EMB_D = 768
POOL = 512
NUM_PROMPTS = 8
TOP_K = 5

ROW_D = NUM_PROMPTS * EMB_D
ROWS = N_LAYERS * B * TOP_K
NUM_CORES = 2
NUM_SUBCORES = 16
NW = NUM_CORES * NUM_SUBCORES
RPW = ROWS // NW
CHUNK = 10
NCHUNK = RPW // CHUNK
NBUF = 2
LPS = 6


def _topk_body(q_ref, nq_ref, k_ref, nk_ref, idx_ref):
    col = lax.broadcasted_iota(jnp.int32, (B, POOL), 1)
    neg = jnp.float32(-jnp.inf)
    for j in range(LPS):
        qn = q_ref[j] / nq_ref[j]
        kn = k_ref[j] / nk_ref[j]
        s = jax.lax.dot_general(
            qn, kn, (((1,), (1,)), ((), ())),
            preferred_element_type=jnp.float32)
        outs = []
        for _ in range(TOP_K):
            m = jnp.max(s, axis=1, keepdims=True)
            cand = jnp.where(s == m, col, POOL)
            idx = jnp.min(cand, axis=1, keepdims=True)
            outs.append(idx)
            s = jnp.where(col == idx, neg, s)
        base = (pl.program_id(0) * LPS + j) * POOL
        idx_ref[j] = jnp.concatenate(outs, axis=1) + base


def _topk_indices(xq, nq, e_k, nk):
    return pl.pallas_call(
        _topk_body,
        grid=(N_LAYERS // LPS,),
        in_specs=[
            pl.BlockSpec((LPS, B, KEY_D), lambda l: (l, 0, 0)),
            pl.BlockSpec((LPS, B, 1), lambda l: (l, 0, 0)),
            pl.BlockSpec((LPS, POOL, KEY_D), lambda l: (l, 0, 0)),
            pl.BlockSpec((LPS, POOL, 1), lambda l: (l, 0, 0)),
        ],
        out_specs=pl.BlockSpec((LPS, B, TOP_K), lambda l: (l, 0, 0)),
        out_shape=jax.ShapeDtypeStruct((N_LAYERS, B, TOP_K), jnp.int32),
    )(xq, nq, e_k, nk)


def _sc_gather_body(table_hbm, idx_hbm, out_hbm, idx_v, buf0, buf1,
                    gsem0, gsem1, ssem0, ssem1):
    wid = lax.axis_index("s") * NUM_CORES + lax.axis_index("c")
    pltpu.sync_copy(idx_hbm.at[wid], idx_v)
    base = wid * RPW

    bufs = (buf0, buf1)
    gsems = (gsem0, gsem1)
    ssems = (ssem0, ssem1)

    def ostart(c):
        return out_hbm.at[pl.ds(base + c * CHUNK, CHUNK)]

    for c in range(NBUF - 1):
        pltpu.async_copy(table_hbm.at[idx_v.at[c]], bufs[c], gsems[c])

    def chunk(c, carry):
        for p in range(NBUF):
            @pl.when(c % NBUF == p)
            def _():
                pltpu.make_async_copy(table_hbm.at[idx_v.at[c]], bufs[p],
                                      gsems[p]).wait()
                pltpu.async_copy(bufs[p], ostart(c), ssems[p])

        nxt = c + NBUF - 1
        for p in range(NBUF):
            @pl.when(jnp.logical_and(nxt < NCHUNK, nxt % NBUF == p))
            def _():
                @pl.when(nxt >= NBUF)
                def _():
                    pltpu.make_async_copy(bufs[p], ostart(nxt - NBUF),
                                          ssems[p]).wait()
                pltpu.async_copy(table_hbm.at[idx_v.at[nxt]], bufs[p], gsems[p])

        return carry

    lax.fori_loop(0, NCHUNK, chunk, 0)
    for last in range(NCHUNK - NBUF, NCHUNK):
        pltpu.make_async_copy(bufs[last % NBUF], ostart(last),
                              ssems[last % NBUF]).wait()


@functools.lru_cache(maxsize=1)
def _sc_gather():
    return functools.partial(
        pl.kernel,
        mesh=plsc.VectorSubcoreMesh(core_axis_name="c", subcore_axis_name="s"),
        out_type=jax.ShapeDtypeStruct((ROWS, NUM_PROMPTS, EMB_D), jnp.float32),
        scratch_types=(
            [pltpu.VMEM((NCHUNK, CHUNK), jnp.int32)]
            + [pltpu.VMEM((CHUNK, NUM_PROMPTS, EMB_D), jnp.float32)] * NBUF
            + [pltpu.SemaphoreType.DMA] * (2 * NBUF)
        ),
        compiler_params=pltpu.CompilerParams(use_tc_tiling_on_sc=True),
    )(_sc_gather_body)


def kernel(x_query, e_k, e_p, vis_mark):
    xq = jnp.swapaxes(x_query, 0, 1)
    nq = jnp.maximum(jnp.linalg.norm(xq, axis=-1, keepdims=True), 1e-12)
    nk = jnp.maximum(jnp.linalg.norm(e_k, axis=-1, keepdims=True), 1e-12)
    idx = _topk_indices(xq, nq, e_k, nk)
    flat_idx = idx.reshape(NW, NCHUNK, CHUNK)
    table = e_p.reshape(N_LAYERS * POOL, NUM_PROMPTS, EMB_D)
    out = _sc_gather()(table, flat_idx)
    out = out.reshape(N_LAYERS, B, TOP_K * NUM_PROMPTS, EMB_D)
    p_loss = jnp.zeros((), jnp.float32)
    return (out, p_loss)

# --- scband reference (transcript-rebuilt; emitter-appended) ---
"""Pipeline reference for scband-l2-ppp-mask-m-2078764171782 (READ-ONLY COPY).

The authoritative reference and input builder live on the scoring server;
editing this copy changes nothing except your own understanding.
"""

import jax, jax.numpy as jnp
import numpy as np

B = 128
N_LAYERS = 12
EMB_D = 768
KEY_D = 768
POOL = 512
NUM_PROMPTS = 8
TOP_K = 5
LOSS_WEIGHT = 1.0


def setup_inputs(seed: int = 0) -> dict:
    key = jax.random.key(seed)
    k1, k2, k3 = jax.random.split(key, 3)
    x_query = jax.random.normal(k1, (B, N_LAYERS, KEY_D), dtype=jnp.float32)
    # e_k_l and e_p_l params for each of the 12 e_layers, stacked along a leading layer axis.
    # torch init is nn.init.uniform_ (U[0,1)).
    e_k = jax.random.uniform(k2, (N_LAYERS, POOL, KEY_D), dtype=jnp.float32)
    e_p = jax.random.uniform(k3, (N_LAYERS, POOL, NUM_PROMPTS, EMB_D), dtype=jnp.float32)
    return {"x_query": x_query, "e_k": e_k, "e_p": e_p, "vis_mark": 0}


def _normalize(x):
    # torch F.normalize(dim=-1): x / max(||x||, 1e-12)
    n = jnp.linalg.norm(x, axis=-1, keepdims=True)
    return x / jnp.maximum(n, 1e-12)


def reference(x_query, e_k, e_p, vis_mark=0):
    # L2PppMaskM eval (train=False) path: per-layer cosine-sim prompt selection via top-k,
    # gather selected prompts, stack over layers and flatten (top_k, prompt_len) dims.
    Bq, nL, C = x_query.shape
    p_return = []
    for l in range(nL):
        n_K = _normalize(e_k[l])                               # [POOL, KEY_D]
        q = jax.lax.stop_gradient(_normalize(x_query[:, l, :]))  # detached query [B, KEY_D]
        cos_sim = jnp.einsum('bj,kj->bk', q, n_K)              # [B, POOL]
        _, k_idx = jax.lax.top_k(cos_sim, TOP_K)               # [B, TOP_K]
        P_ = e_p[l][k_idx]                                     # gather -> [B, TOP_K, NUM_PROMPTS, EMB_D]
        p_return.append(P_)
    out = jnp.stack(p_return, axis=0)                          # [nL, B, TOP_K, NUM_PROMPTS, EMB_D]
    out = out.reshape(nL, Bq, TOP_K * NUM_PROMPTS, EMB_D)      # flatten(2,3)
    p_loss = jnp.asarray(0.0, dtype=jnp.float32) * LOSS_WEIGHT
    return (out, p_loss)

if __name__ == "__main__":
    import jax
    _d = setup_inputs()
    print(jax.jit(kernel)(*tuple(_d.values())))

</pallas_src>

<mosaic_0001>
#map = affine_map<(d0, d1) -> (0, 0, 0)>
module attributes {stable_mosaic.version = 14 : i64} {
  func.func @_sc_gather_body(%arg0: i32, %arg1: i32, %arg2: memref<6144x8x768xf32, #tpu.memory_space<hbm>>, %arg3: memref<32x24x10xi32, #tpu.memory_space<hbm>>, %arg4: memref<7680x8x768xf32, #tpu.memory_space<hbm>>, %arg5: memref<24x10xi32, #tpu.memory_space<vmem>>, %arg6: memref<10x8x768xf32, #tpu.memory_space<vmem>>, %arg7: memref<10x8x768xf32, #tpu.memory_space<vmem>>, %arg8: memref<!tpu.dma_semaphore, #tpu.memory_space<semaphore_mem>>, %arg9: memref<!tpu.dma_semaphore, #tpu.memory_space<semaphore_mem>>, %arg10: memref<!tpu.dma_semaphore, #tpu.memory_space<semaphore_mem>>, %arg11: memref<!tpu.dma_semaphore, #tpu.memory_space<semaphore_mem>>) attributes {dimension_semantics = [#tpu.dimension_semantics<core_parallel>, #tpu.dimension_semantics<subcore_parallel>], iteration_bounds = array<i64: 2, 16>, scalar_prefetch = 0 : i64, scratch_operands = 7 : i64, tpu.core_type = #tpu.core_type<sc_vector_subcore>, window_params = [{transform_indices = #map}, {transform_indices = #map}, {transform_indices = #map}]} {
    %mul3A = arith.constant 2 : i32
    %mul3A_0 = arith.muli %arg1, %mul3A : i32
    %add3A = arith.addi %mul3A_0, %arg0 : i32
    "tpu.region"() ({
      %run_scoped3A = tpu.sem_alloc : memref<!tpu.dma_semaphore, #tpu.memory_space<semaphore_mem>>
      %dma_start3A_30 = arith.constant 0 : i32
      %dma_start3A_31 = arith.constant 0 : i32
      %dma_start3A_32 = tpu.memref_slice %arg3[%add3A, %dma_start3A_30, %dma_start3A_31] : memref<32x24x10xi32, #tpu.memory_space<hbm>> -> memref<1x24x10xi32, #tpu.memory_space<hbm>>
      %dma_start3A_33 = tpu.memref_squeeze %dma_start3A_32 : memref<1x24x10xi32, #tpu.memory_space<hbm>> -> memref<24x10xi32, #tpu.memory_space<hbm>>
      %dma_start3A_34 = arith.constant 0 : i32
      %dma_start3A_35 = arith.constant 0 : i32
      %dma_start3A_36 = tpu.memref_slice %arg3[%add3A, %dma_start3A_34, %dma_start3A_35] : memref<32x24x10xi32, #tpu.memory_space<hbm>> -> memref<1x24x10xi32, #tpu.memory_space<hbm>>
      %dma_start3A_37 = tpu.memref_squeeze %dma_start3A_36 : memref<1x24x10xi32, #tpu.memory_space<hbm>> -> memref<24x10xi32, #tpu.memory_space<hbm>>
      tpu.enqueue_dma source(%dma_start3A_37 : memref<24x10xi32, #tpu.memory_space<hbm>>) target(%arg5 : memref<24x10xi32, #tpu.memory_space<vmem>>) target_semaphore(%run_scoped3A : memref<!tpu.dma_semaphore, #tpu.memory_space<semaphore_mem>>)
      %dma_wait3A_38 = arith.constant 0 : i32
      %dma_wait3A_39 = arith.constant 0 : i32
      %dma_wait3A_40 = tpu.memref_slice %arg3[%add3A, %dma_wait3A_38, %dma_wait3A_39] : memref<32x24x10xi32, #tpu.memory_space<hbm>> -> memref<1x24x10xi32, #tpu.memory_space<hbm>>
      %dma_wait3A_41 = tpu.memref_squeeze %dma_wait3A_40 : memref<1x24x10xi32, #tpu.memory_space<hbm>> -> memref<24x10xi32, #tpu.memory_space<hbm>>
      %dma_wait3A_42 = arith.constant 0 : i32
      %dma_wait3A_43 = arith.constant 0 : i32
      %dma_wait3A_44 = tpu.memref_slice %arg3[%add3A, %dma_wait3A_42, %dma_wait3A_43] : memref<32x24x10xi32, #tpu.memory_space<hbm>> -> memref<1x24x10xi32, #tpu.memory_space<hbm>>
      %dma_wait3A_45 = tpu.memref_squeeze %dma_wait3A_44 : memref<1x24x10xi32, #tpu.memory_space<hbm>> -> memref<24x10xi32, #tpu.memory_space<hbm>>
      tpu.wait_dma2 semaphore(%run_scoped3A : memref<!tpu.dma_semaphore, #tpu.memory_space<semaphore_mem>>) src(%dma_wait3A_45 : memref<24x10xi32, #tpu.memory_space<hbm>>) dst(%arg5 : memref<24x10xi32, #tpu.memory_space<vmem>>)
      tpu.yield
    }) : () -> ()
    %mul3A_1 = arith.constant 240 : i32
    %mul3A_2 = arith.muli %add3A, %mul3A_1 : i32
    %dma_start3A = arith.constant 0 : i32
    %dma_start3A_3 = arith.constant 0 : i32
    %dma_start3A_4 = tpu.memref_slice %arg5[%dma_start3A, %dma_start3A_3] : memref<24x10xi32, #tpu.memory_space<vmem>> -> memref<1x10xi32, #tpu.memory_space<vmem>>
    %dma_start3A_5 = tpu.memref_squeeze %dma_start3A_4 : memref<1x10xi32, #tpu.memory_space<vmem>> -> memref<10xi32, #tpu.memory_space<vmem>>
    %dma_start3A_6 = arith.constant 0 : i32
    %dma_start3A_7 = arith.constant 0 : i32
    %dma_start3A_8 = arith.constant 0 : i32
    %dma_start3A_9 = tpu.memref_slice %arg2[%dma_start3A_6, %dma_start3A_7, %dma_start3A_8] : memref<6144x8x768xf32, #tpu.memory_space<hbm>> -> memref<6144x8x768xf32, #tpu.memory_space<hbm>>
    tpu.enqueue_indirect_dma source(%dma_start3A_9 : memref<6144x8x768xf32, #tpu.memory_space<hbm>>) target(%arg6 : memref<10x8x768xf32, #tpu.memory_space<vmem>>) offsets(%dma_start3A_5 : memref<10xi32, #tpu.memory_space<vmem>>) semaphore(%arg8 : memref<!tpu.dma_semaphore, #tpu.memory_space<semaphore_mem>>)
    %scan3A = arith.constant 0 : i32
    %scan3A_10 = arith.constant 0 : i32
    %scan3A_11 = arith.constant 24 : i32
    %scan3A_12 = arith.addi %scan3A_10, %scan3A_11 : i32
    %scan3A_13 = arith.constant 1 : i32
    scf.for %scan3A_30 = %scan3A_10 to %scan3A_12 step %scan3A_13  : i32 {
      %jit3A = arith.constant 2 : i32
      %eq3A = arith.constant 0 : i32
      %eq3A_31 = arith.cmpi eq, %jit3A, %eq3A : i32
      %jit3A_32 = arith.constant 1 : i32
      %select_n3A = arith.select %eq3A_31, %jit3A_32, %jit3A : i32
      %rem3A = arith.remsi %scan3A_30, %select_n3A : i32
      %ne3A = arith.constant 0 : i32
      %ne3A_33 = arith.cmpi ne, %rem3A, %ne3A : i32
      %lt3A = arith.constant 0 : i32
      %lt3A_34 = arith.cmpi slt, %rem3A, %lt3A : i32
      %lt3A_35 = arith.constant 0 : i32
      %lt3A_36 = arith.cmpi slt, %select_n3A, %lt3A_35 : i32
      %ne3A_37 = arith.xori %lt3A_34, %lt3A_36 : i1
      %and3A = arith.andi %ne3A_37, %ne3A_33 : i1
      %add3A_38 = arith.addi %rem3A, %select_n3A : i32
      %select_n3A_39 = arith.select %and3A, %add3A_38, %rem3A : i32
      %eq3A_40 = arith.constant 0 : i32
      %eq3A_41 = arith.cmpi eq, %select_n3A_39, %eq3A_40 : i32
      %convert_element_type3A = arith.extui %eq3A_41 : i1 to i32
      %cond3A = arith.constant 0 : i32
      %cond3A_42 = arith.cmpi ne, %convert_element_type3A, %cond3A : i32
      scf.if %cond3A_42 {
        %dma_wait3A_115 = arith.constant 0 : i32
        %dma_wait3A_116 = tpu.memref_slice %arg5[%scan3A_30, %dma_wait3A_115] : memref<24x10xi32, #tpu.memory_space<vmem>> -> memref<1x10xi32, #tpu.memory_space<vmem>>
        %dma_wait3A_117 = tpu.memref_squeeze %dma_wait3A_116 : memref<1x10xi32, #tpu.memory_space<vmem>> -> memref<10xi32, #tpu.memory_space<vmem>>
        %dma_wait3A_118 = arith.constant 0 : i32
        %dma_wait3A_119 = arith.constant 0 : i32
        %dma_wait3A_120 = arith.constant 0 : i32
        %dma_wait3A_121 = tpu.memref_slice %arg2[%dma_wait3A_118, %dma_wait3A_119, %dma_wait3A_120] : memref<6144x8x768xf32, #tpu.memory_space<hbm>> -> memref<6144x8x768xf32, #tpu.memory_space<hbm>>
        tpu.wait_indirect_dma semaphore(%arg8 : memref<!tpu.dma_semaphore, #tpu.memory_space<semaphore_mem>>) src(%dma_wait3A_121 : memref<6144x8x768xf32, #tpu.memory_space<hbm>>) dst(%arg6 : memref<10x8x768xf32, #tpu.memory_space<vmem>>)
        %mul3A_122 = arith.constant 10 : i32
        %mul3A_123 = arith.muli %scan3A_30, %mul3A_122 : i32
        %add3A_124 = arith.addi %mul3A_2, %mul3A_123 : i32
        %dma_start3A_125 = arith.constant 0 : i32
        %dma_start3A_126 = arith.constant 0 : i32
        %dma_start3A_127 = tpu.memref_slice %arg4[%add3A_124, %dma_start3A_125, %dma_start3A_126] : memref<7680x8x768xf32, #tpu.memory_space<hbm>> -> memref<10x8x768xf32, #tpu.memory_space<hbm>>
        %dma_start3A_128 = arith.constant 0 : i32
        %dma_start3A_129 = arith.constant 0 : i32
        %dma_start3A_130 = tpu.memref_slice %arg4[%add3A_124, %dma_start3A_128, %dma_start3A_129] : memref<7680x8x768xf32, #tpu.memory_space<hbm>> -> memref<10x8x768xf32, #tpu.memory_space<hbm>>
        tpu.enqueue_dma source(%arg6 : memref<10x8x768xf32, #tpu.memory_space<vmem>>) target(%dma_start3A_130 : memref<10x8x768xf32, #tpu.memory_space<hbm>>) target_semaphore(%arg10 : memref<!tpu.dma_semaphore, #tpu.memory_space<semaphore_mem>>)
      } else {
      }
      %jit3A_43 = arith.constant 2 : i32
      %eq3A_44 = arith.constant 0 : i32
      %eq3A_45 = arith.cmpi eq, %jit3A_43, %eq3A_44 : i32
      %jit3A_46 = arith.constant 1 : i32
      %select_n3A_47 = arith.select %eq3A_45, %jit3A_46, %jit3A_43 : i32
      %rem3A_48 = arith.remsi %scan3A_30, %select_n3A_47 : i32
      %ne3A_49 = arith.constant 0 : i32
      %ne3A_50 = arith.cmpi ne, %rem3A_48, %ne3A_49 : i32
      %lt3A_51 = arith.constant 0 : i32
      %lt3A_52 = arith.cmpi slt, %rem3A_48, %lt3A_51 : i32
      %lt3A_53 = arith.constant 0 : i32
      %lt3A_54 = arith.cmpi slt, %select_n3A_47, %lt3A_53 : i32
      %ne3A_55 = arith.xori %lt3A_52, %lt3A_54 : i1
      %and3A_56 = arith.andi %ne3A_55, %ne3A_50 : i1
      %add3A_57 = arith.addi %rem3A_48, %select_n3A_47 : i32
      %select_n3A_58 = arith.select %and3A_56, %add3A_57, %rem3A_48 : i32
      %eq3A_59 = arith.constant 1 : i32
      %eq3A_60 = arith.cmpi eq, %select_n3A_58, %eq3A_59 : i32
      %convert_element_type3A_61 = arith.extui %eq3A_60 : i1 to i32
      %cond3A_62 = arith.constant 0 : i32
      %cond3A_63 = arith.cmpi ne, %convert_element_type3A_61, %cond3A_62 : i32
      scf.if %cond3A_63 {
        %dma_wait3A_115 = arith.constant 0 : i32
        %dma_wait3A_116 = tpu.memref_slice %arg5[%scan3A_30, %dma_wait3A_115] : memref<24x10xi32, #tpu.memory_space<vmem>> -> memref<1x10xi32, #tpu.memory_space<vmem>>
        %dma_wait3A_117 = tpu.memref_squeeze %dma_wait3A_116 : memref<1x10xi32, #tpu.memory_space<vmem>> -> memref<10xi32, #tpu.memory_space<vmem>>
        %dma_wait3A_118 = arith.constant 0 : i32
        %dma_wait3A_119 = arith.constant 0 : i32
        %dma_wait3A_120 = arith.constant 0 : i32
        %dma_wait3A_121 = tpu.memref_slice %arg2[%dma_wait3A_118, %dma_wait3A_119, %dma_wait3A_120] : memref<6144x8x768xf32, #tpu.memory_space<hbm>> -> memref<6144x8x768xf32, #tpu.memory_space<hbm>>
        tpu.wait_indirect_dma semaphore(%arg9 : memref<!tpu.dma_semaphore, #tpu.memory_space<semaphore_mem>>) src(%dma_wait3A_121 : memref<6144x8x768xf32, #tpu.memory_space<hbm>>) dst(%arg7 : memref<10x8x768xf32, #tpu.memory_space<vmem>>)
        %mul3A_122 = arith.constant 10 : i32
        %mul3A_123 = arith.muli %scan3A_30, %mul3A_122 : i32
        %add3A_124 = arith.addi %mul3A_2, %mul3A_123 : i32
        %dma_start3A_125 = arith.constant 0 : i32
        %dma_start3A_126 = arith.constant 0 : i32
        %dma_start3A_127 = tpu.memref_slice %arg4[%add3A_124, %dma_start3A_125, %dma_start3A_126] : memref<7680x8x768xf32, #tpu.memory_space<hbm>> -> memref<10x8x768xf32, #tpu.memory_space<hbm>>
        %dma_start3A_128 = arith.constant 0 : i32
        %dma_start3A_129 = arith.constant 0 : i32
        %dma_start3A_130 = tpu.memref_slice %arg4[%add3A_124, %dma_start3A_128, %dma_start3A_129] : memref<7680x8x768xf32, #tpu.memory_space<hbm>> -> memref<10x8x768xf32, #tpu.memory_space<hbm>>
        tpu.enqueue_dma source(%arg7 : memref<10x8x768xf32, #tpu.memory_space<vmem>>) target(%dma_start3A_130 : memref<10x8x768xf32, #tpu.memory_space<hbm>>) target_semaphore(%arg11 : memref<!tpu.dma_semaphore, #tpu.memory_space<semaphore_mem>>)
      } else {
      }
      %add3A_64 = arith.constant 2 : i32
      %add3A_65 = arith.addi %scan3A_30, %add3A_64 : i32
      %sub3A = arith.constant 1 : i32
      %sub3A_66 = arith.subi %add3A_65, %sub3A : i32
      %lt3A_67 = arith.constant 24 : i32
      %lt3A_68 = arith.cmpi slt, %sub3A_66, %lt3A_67 : i32
      %jit3A_69 = arith.constant 2 : i32
      %eq3A_70 = arith.constant 0 : i32
      %eq3A_71 = arith.cmpi eq, %jit3A_69, %eq3A_70 : i32
      %jit3A_72 = arith.constant 1 : i32
      %select_n3A_73 = arith.select %eq3A_71, %jit3A_72, %jit3A_69 : i32
      %rem3A_74 = arith.remsi %sub3A_66, %select_n3A_73 : i32
      %ne3A_75 = arith.constant 0 : i32
      %ne3A_76 = arith.cmpi ne, %rem3A_74, %ne3A_75 : i32
      %lt3A_77 = arith.constant 0 : i32
      %lt3A_78 = arith.cmpi slt, %rem3A_74, %lt3A_77 : i32
      %lt3A_79 = arith.constant 0 : i32
      %lt3A_80 = arith.cmpi slt, %select_n3A_73, %lt3A_79 : i32
      %ne3A_81 = arith.xori %lt3A_78, %lt3A_80 : i1
      %and3A_82 = arith.andi %ne3A_81, %ne3A_76 : i1
      %add3A_83 = arith.addi %rem3A_74, %select_n3A_73 : i32
      %select_n3A_84 = arith.select %and3A_82, %add3A_83, %rem3A_74 : i32
      %eq3A_85 = arith.constant 0 : i32
      %eq3A_86 = arith.cmpi eq, %select_n3A_84, %eq3A_85 : i32
      %and3A_87 = arith.andi %lt3A_68, %eq3A_86 : i1
      %convert_element_type3A_88 = arith.extui %and3A_87 : i1 to i32
      %cond3A_89 = arith.constant 0 : i32
      %cond3A_90 = arith.cmpi ne, %convert_element_type3A_88, %cond3A_89 : i32
      scf.if %cond3A_90 {
        %ge3A = arith.constant 2 : i32
        %ge3A_115 = arith.cmpi sge, %sub3A_66, %ge3A : i32
        %convert_element_type3A_116 = arith.extui %ge3A_115 : i1 to i32
        %cond3A_117 = arith.constant 0 : i32
        %cond3A_118 = arith.cmpi ne, %convert_element_type3A_116, %cond3A_117 : i32
        scf.if %cond3A_118 {
          %sub3A_126 = arith.constant 2 : i32
          %sub3A_127 = arith.subi %sub3A_66, %sub3A_126 : i32
          %mul3A_128 = arith.constant 10 : i32
          %mul3A_129 = arith.muli %sub3A_127, %mul3A_128 : i32
          %add3A_130 = arith.addi %mul3A_2, %mul3A_129 : i32
          %dma_wait3A_131 = arith.constant 0 : i32
          %dma_wait3A_132 = arith.constant 0 : i32
          %dma_wait3A_133 = tpu.memref_slice %arg4[%add3A_130, %dma_wait3A_131, %dma_wait3A_132] : memref<7680x8x768xf32, #tpu.memory_space<hbm>> -> memref<10x8x768xf32, #tpu.memory_space<hbm>>
          %dma_wait3A_134 = arith.constant 0 : i32
          %dma_wait3A_135 = arith.constant 0 : i32
          %dma_wait3A_136 = tpu.memref_slice %arg4[%add3A_130, %dma_wait3A_134, %dma_wait3A_135] : memref<7680x8x768xf32, #tpu.memory_space<hbm>> -> memref<10x8x768xf32, #tpu.memory_space<hbm>>
          tpu.wait_dma2 semaphore(%arg10 : memref<!tpu.dma_semaphore, #tpu.memory_space<semaphore_mem>>) src(%arg6 : memref<10x8x768xf32, #tpu.memory_space<vmem>>) dst(%dma_wait3A_136 : memref<10x8x768xf32, #tpu.memory_space<hbm>>)
        } else {
        }
        %dma_start3A_119 = arith.constant 0 : i32
        %dma_start3A_120 = tpu.memref_slice %arg5[%sub3A_66, %dma_start3A_119] : memref<24x10xi32, #tpu.memory_space<vmem>> -> memref<1x10xi32, #tpu.memory_space<vmem>>
        %dma_start3A_121 = tpu.memref_squeeze %dma_start3A_120 : memref<1x10xi32, #tpu.memory_space<vmem>> -> memref<10xi32, #tpu.memory_space<vmem>>
        %dma_start3A_122 = arith.constant 0 : i32
        %dma_start3A_123 = arith.constant 0 : i32
        %dma_start3A_124 = arith.constant 0 : i32
        %dma_start3A_125 = tpu.memref_slice %arg2[%dma_start3A_122, %dma_start3A_123, %dma_start3A_124] : memref<6144x8x768xf32, #tpu.memory_space<hbm>> -> memref<6144x8x768xf32, #tpu.memory_space<hbm>>
        tpu.enqueue_indirect_dma source(%dma_start3A_125 : memref<6144x8x768xf32, #tpu.memory_space<hbm>>) target(%arg6 : memref<10x8x768xf32, #tpu.memory_space<vmem>>) offsets(%dma_start3A_121 : memref<10xi32, #tpu.memory_space<vmem>>) semaphore(%arg8 : memref<!tpu.dma_semaphore, #tpu.memory_space<semaphore_mem>>)
      } else {
      }
      %lt3A_91 = arith.constant 24 : i32
      %lt3A_92 = arith.cmpi slt, %sub3A_66, %lt3A_91 : i32
      %jit3A_93 = arith.constant 2 : i32
      %eq3A_94 = arith.constant 0 : i32
      %eq3A_95 = arith.cmpi eq, %jit3A_93, %eq3A_94 : i32
      %jit3A_96 = arith.constant 1 : i32
      %select_n3A_97 = arith.select %eq3A_95, %jit3A_96, %jit3A_93 : i32
      %rem3A_98 = arith.remsi %sub3A_66, %select_n3A_97 : i32
      %ne3A_99 = arith.constant 0 : i32
      %ne3A_100 = arith.cmpi ne, %rem3A_98, %ne3A_99 : i32
      %lt3A_101 = arith.constant 0 : i32
      %lt3A_102 = arith.cmpi slt, %rem3A_98, %lt3A_101 : i32
      %lt3A_103 = arith.constant 0 : i32
      %lt3A_104 = arith.cmpi slt, %select_n3A_97, %lt3A_103 : i32
      %ne3A_105 = arith.xori %lt3A_102, %lt3A_104 : i1
      %and3A_106 = arith.andi %ne3A_105, %ne3A_100 : i1
      %add3A_107 = arith.addi %rem3A_98, %select_n3A_97 : i32
      %select_n3A_108 = arith.select %and3A_106, %add3A_107, %rem3A_98 : i32
      %eq3A_109 = arith.constant 1 : i32
      %eq3A_110 = arith.cmpi eq, %select_n3A_108, %eq3A_109 : i32
      %and3A_111 = arith.andi %lt3A_92, %eq3A_110 : i1
      %convert_element_type3A_112 = arith.extui %and3A_111 : i1 to i32
      %cond3A_113 = arith.constant 0 : i32
      %cond3A_114 = arith.cmpi ne, %convert_element_type3A_112, %cond3A_113 : i32
      scf.if %cond3A_114 {
        %ge3A = arith.constant 2 : i32
        %ge3A_115 = arith.cmpi sge, %sub3A_66, %ge3A : i32
        %convert_element_type3A_116 = arith.extui %ge3A_115 : i1 to i32
        %cond3A_117 = arith.constant 0 : i32
        %cond3A_118 = arith.cmpi ne, %convert_element_type3A_116, %cond3A_117 : i32
        scf.if %cond3A_118 {
          %sub3A_126 = arith.constant 2 : i32
          %sub3A_127 = arith.subi %sub3A_66, %sub3A_126 : i32
          %mul3A_128 = arith.constant 10 : i32
          %mul3A_129 = arith.muli %sub3A_127, %mul3A_128 : i32
          %add3A_130 = arith.addi %mul3A_2, %mul3A_129 : i32
          %dma_wait3A_131 = arith.constant 0 : i32
          %dma_wait3A_132 = arith.constant 0 : i32
          %dma_wait3A_133 = tpu.memref_slice %arg4[%add3A_130, %dma_wait3A_131, %dma_wait3A_132] : memref<7680x8x768xf32, #tpu.memory_space<hbm>> -> memref<10x8x768xf32, #tpu.memory_space<hbm>>
          %dma_wait3A_134 = arith.constant 0 : i32
          %dma_wait3A_135 = arith.constant 0 : i32
          %dma_wait3A_136 = tpu.memref_slice %arg4[%add3A_130, %dma_wait3A_134, %dma_wait3A_135] : memref<7680x8x768xf32, #tpu.memory_space<hbm>> -> memref<10x8x768xf32, #tpu.memory_space<hbm>>
          tpu.wait_dma2 semaphore(%arg11 : memref<!tpu.dma_semaphore, #tpu.memory_space<semaphore_mem>>) src(%arg7 : memref<10x8x768xf32, #tpu.memory_space<vmem>>) dst(%dma_wait3A_136 : memref<10x8x768xf32, #tpu.memory_space<hbm>>)
        } else {
        }
        %dma_start3A_119 = arith.constant 0 : i32
        %dma_start3A_120 = tpu.memref_slice %arg5[%sub3A_66, %dma_start3A_119] : memref<24x10xi32, #tpu.memory_space<vmem>> -> memref<1x10xi32, #tpu.memory_space<vmem>>
        %dma_start3A_121 = tpu.memref_squeeze %dma_start3A_120 : memref<1x10xi32, #tpu.memory_space<vmem>> -> memref<10xi32, #tpu.memory_space<vmem>>
        %dma_start3A_122 = arith.constant 0 : i32
        %dma_start3A_123 = arith.constant 0 : i32
        %dma_start3A_124 = arith.constant 0 : i32
        %dma_start3A_125 = tpu.memref_slice %arg2[%dma_start3A_122, %dma_start3A_123, %dma_start3A_124] : memref<6144x8x768xf32, #tpu.memory_space<hbm>> -> memref<6144x8x768xf32, #tpu.memory_space<hbm>>
        tpu.enqueue_indirect_dma source(%dma_start3A_125 : memref<6144x8x768xf32, #tpu.memory_space<hbm>>) target(%arg7 : memref<10x8x768xf32, #tpu.memory_space<vmem>>) offsets(%dma_start3A_121 : memref<10xi32, #tpu.memory_space<vmem>>) semaphore(%arg9 : memref<!tpu.dma_semaphore, #tpu.memory_space<semaphore_mem>>)
      } else {
      }
    }
    %scan3A_14 = arith.constant 24 : i32
    %add3A_15 = arith.constant 220 : i32
    %add3A_16 = arith.addi %mul3A_2, %add3A_15 : i32
    %dma_wait3A = arith.constant 0 : i32
    %dma_wait3A_17 = arith.constant 0 : i32
    %dma_wait3A_18 = tpu.memref_slice %arg4[%add3A_16, %dma_wait3A, %dma_wait3A_17] : memref<7680x8x768xf32, #tpu.memory_space<hbm>> -> memref<10x8x768xf32, #tpu.memory_space<hbm>>
    %dma_wait3A_19 = arith.constant 0 : i32
    %dma_wait3A_20 = arith.constant 0 : i32
    %dma_wait3A_21 = tpu.memref_slice %arg4[%add3A_16, %dma_wait3A_19, %dma_wait3A_20] : memref<7680x8x768xf32, #tpu.memory_space<hbm>> -> memref<10x8x768xf32, #tpu.memory_space<hbm>>
    tpu.wait_dma2 semaphore(%arg10 : memref<!tpu.dma_semaphore, #tpu.memory_space<semaphore_mem>>) src(%arg6 : memref<10x8x768xf32, #tpu.memory_space<vmem>>) dst(%dma_wait3A_21 : memref<10x8x768xf32, #tpu.memory_space<hbm>>)
    %add3A_22 = arith.constant 230 : i32
    %add3A_23 = arith.addi %mul3A_2, %add3A_22 : i32
    %dma_wait3A_24 = arith.constant 0 : i32
    %dma_wait3A_25 = arith.constant 0 : i32
    %dma_wait3A_26 = tpu.memref_slice %arg4[%add3A_23, %dma_wait3A_24, %dma_wait3A_25] : memref<7680x8x768xf32, #tpu.memory_space<hbm>> -> memref<10x8x768xf32, #tpu.memory_space<hbm>>
    %dma_wait3A_27 = arith.constant 0 : i32
    %dma_wait3A_28 = arith.constant 0 : i32
    %dma_wait3A_29 = tpu.memref_slice %arg4[%add3A_23, %dma_wait3A_27, %dma_wait3A_28] : memref<7680x8x768xf32, #tpu.memory_space<hbm>> -> memref<10x8x768xf32, #tpu.memory_space<hbm>>
    tpu.wait_dma2 semaphore(%arg11 : memref<!tpu.dma_semaphore, #tpu.memory_space<semaphore_mem>>) src(%arg7 : memref<10x8x768xf32, #tpu.memory_space<vmem>>) dst(%dma_wait3A_29 : memref<10x8x768xf32, #tpu.memory_space<hbm>>)
    return
  }
}

module attributes {stable_mosaic.version = 14 : i64} {
  func.func @_topk_body(%arg0: i32, %arg1: memref<6x128x768xf32, #tpu.memory_space<vmem>>, %arg2: memref<6x128x1xf32, #tpu.memory_space<vmem>>, %arg3: memref<6x512x768xf32, #tpu.memory_space<vmem>>, %arg4: memref<6x512x1xf32, #tpu.memory_space<vmem>>, %arg5: memref<6x128x5xi32, #tpu.memory_space<vmem>>) attributes {dimension_semantics = [#tpu.dimension_semantics<arbitrary>], iteration_bounds = array<i64: 2>, scalar_prefetch = 0 : i64, scratch_operands = 0 : i64, tpu.core_type = #tpu.core_type<tc>, window_params = [{transform_indices = @transform_0, window_bounds = array<i64: 6, 128, 768>}, {transform_indices = @transform_1, window_bounds = array<i64: 6, 128, 1>}, {transform_indices = @transform_2, window_bounds = array<i64: 6, 512, 768>}, {transform_indices = @transform_3, window_bounds = array<i64: 6, 512, 1>}, {transform_indices = @transform_4, window_bounds = array<i64: 6, 128, 5>}]} {
    %iota3A = tpu.iota {dimensions = array<i32: 1>} : vector<128x512xi32>
    %get3A = arith.constant 0 : index
    %get3A_0 = arith.constant 0 : index
    %get3A_1 = arith.constant 0 : index
    %get3A_2 = vector.load %arg1[%get3A, %get3A_0, %get3A_1] : memref<6x128x768xf32, #tpu.memory_space<vmem>>, vector<1x128x768xf32>
    %get3A_3 = vector.shape_cast %get3A_2 : vector<1x128x768xf32> to vector<128x768xf32>
    %get3A_4 = arith.constant 0 : index
    %get3A_5 = arith.constant 0 : index
    %get3A_6 = arith.constant 0 : index
    %get3A_7 = vector.load %arg2[%get3A_4, %get3A_5, %get3A_6] : memref<6x128x1xf32, #tpu.memory_space<vmem>>, vector<1x128x1xf32>
    %get3A_8 = vector.shape_cast %get3A_7 : vector<1x128x1xf32> to vector<128x1xf32>
    %div3A = vector.broadcast %get3A_8 : vector<128x1xf32> to vector<128x768xf32>
    %div3A_9 = arith.divf %get3A_3, %div3A : vector<128x768xf32>
    %get3A_10 = arith.constant 0 : index
    %get3A_11 = arith.constant 0 : index
    %get3A_12 = arith.constant 0 : index
    %get3A_13 = vector.load %arg3[%get3A_10, %get3A_11, %get3A_12] : memref<6x512x768xf32, #tpu.memory_space<vmem>>, vector<1x512x768xf32>
    %get3A_14 = vector.shape_cast %get3A_13 : vector<1x512x768xf32> to vector<512x768xf32>
    %get3A_15 = arith.constant 0 : index
    %get3A_16 = arith.constant 0 : index
    %get3A_17 = arith.constant 0 : index
    %get3A_18 = vector.load %arg4[%get3A_15, %get3A_16, %get3A_17] : memref<6x512x1xf32, #tpu.memory_space<vmem>>, vector<1x512x1xf32>
    %get3A_19 = vector.shape_cast %get3A_18 : vector<1x512x1xf32> to vector<512x1xf32>
    %div3A_20 = vector.broadcast %get3A_19 : vector<512x1xf32> to vector<512x768xf32>
    %div3A_21 = arith.divf %get3A_14, %div3A_20 : vector<512x768xf32>
    %dot_general3A = arith.constant dense<0.000000e+00> : vector<128x512xf32>
    %dot_general3A_22 = tpu.matmul %div3A_9, %div3A_21, %dot_general3A {dimension_numbers = #tpu.dot_dimension_numbers<[1], [1], [0], [0], [0, 0, 1, 0], [], []>, transpose_lhs_hint = false} : vector<128x768xf32>, vector<512x768xf32>, vector<128x512xf32> -> vector<128x512xf32>
    %reduce_max3A = arith.constant dense<0xFF800000> : vector<128xf32>
    %reduce_max3A_23 = vector.multi_reduction <maximumf>, %dot_general3A_22, %reduce_max3A [1] : vector<128x512xf32> to vector<128xf32>
    %broadcast_in_dim3A = vector.shape_cast %reduce_max3A_23 : vector<128xf32> to vector<128x1xf32>
    %eq3A = vector.broadcast %broadcast_in_dim3A : vector<128x1xf32> to vector<128x512xf32>
    %eq3A_24 = arith.cmpf oeq, %dot_general3A_22, %eq3A : vector<128x512xf32>
    %jit3A = arith.constant 512 : i32
    %broadcast_in_dim3A_25 = vector.broadcast %jit3A : i32 to vector<128x512xi32>
    %select_n3A = arith.select %eq3A_24, %iota3A, %broadcast_in_dim3A_25 : vector<128x512xi1>, vector<128x512xi32>
    %reduce_min3A = arith.constant dense<2147483647> : vector<128xi32>
    %reduce_min3A_26 = vector.multi_reduction <minsi>, %select_n3A, %reduce_min3A [1] : vector<128x512xi32> to vector<128xi32>
    %broadcast_in_dim3A_27 = vector.shape_cast %reduce_min3A_26 : vector<128xi32> to vector<128x1xi32>
    %eq3A_28 = vector.broadcast %broadcast_in_dim3A_27 : vector<128x1xi32> to vector<128x512xi32>
    %eq3A_29 = arith.cmpi eq, %iota3A, %eq3A_28 : vector<128x512xi32>
    %jit3A_30 = arith.constant 0xFF800000 : f32
    %broadcast_in_dim3A_31 = vector.broadcast %jit3A_30 : f32 to vector<128x512xf32>
    %select_n3A_32 = arith.select %eq3A_29, %broadcast_in_dim3A_31, %dot_general3A_22 : vector<128x512xi1>, vector<128x512xf32>
    %reduce_max3A_33 = arith.constant dense<0xFF800000> : vector<128xf32>
    %reduce_max3A_34 = vector.multi_reduction <maximumf>, %select_n3A_32, %reduce_max3A_33 [1] : vector<128x512xf32> to vector<128xf32>
    %broadcast_in_dim3A_35 = vector.shape_cast %reduce_max3A_34 : vector<128xf32> to vector<128x1xf32>
    %eq3A_36 = vector.broadcast %broadcast_in_dim3A_35 : vector<128x1xf32> to vector<128x512xf32>
    %eq3A_37 = arith.cmpf oeq, %select_n3A_32, %eq3A_36 : vector<128x512xf32>
    %jit3A_38 = arith.constant 512 : i32
    %broadcast_in_dim3A_39 = vector.broadcast %jit3A_38 : i32 to vector<128x512xi32>
    %select_n3A_40 = arith.select %eq3A_37, %iota3A, %broadcast_in_dim3A_39 : vector<128x512xi1>, vector<128x512xi32>
    %reduce_min3A_41 = arith.constant dense<2147483647> : vector<128xi32>
    %reduce_min3A_42 = vector.multi_reduction <minsi>, %select_n3A_40, %reduce_min3A_41 [1] : vector<128x512xi32> to vector<128xi32>
    %broadcast_in_dim3A_43 = vector.shape_cast %reduce_min3A_42 : vector<128xi32> to vector<128x1xi32>
    %eq3A_44 = vector.broadcast %broadcast_in_dim3A_43 : vector<128x1xi32> to vector<128x512xi32>
    %eq3A_45 = arith.cmpi eq, %iota3A, %eq3A_44 : vector<128x512xi32>
    %jit3A_46 = arith.constant 0xFF800000 : f32
    %broadcast_in_dim3A_47 = vector.broadcast %jit3A_46 : f32 to vector<128x512xf32>
    %select_n3A_48 = arith.select %eq3A_45, %broadcast_in_dim3A_47, %select_n3A_32 : vector<128x512xi1>, vector<128x512xf32>
    %reduce_max3A_49 = arith.constant dense<0xFF800000> : vector<128xf32>
    %reduce_max3A_50 = vector.multi_reduction <maximumf>, %select_n3A_48, %reduce_max3A_49 [1] : vector<128x512xf32> to vector<128xf32>
    %broadcast_in_dim3A_51 = vector.shape_cast %reduce_max3A_50 : vector<128xf32> to vector<128x1xf32>
    %eq3A_52 = vector.broadcast %broadcast_in_dim3A_51 : vector<128x1xf32> to vector<128x512xf32>
    %eq3A_53 = arith.cmpf oeq, %select_n3A_48, %eq3A_52 : vector<128x512xf32>
    %jit3A_54 = arith.constant 512 : i32
    %broadcast_in_dim3A_55 = vector.broadcast %jit3A_54 : i32 to vector<128x512xi32>
    %select_n3A_56 = arith.select %eq3A_53, %iota3A, %broadcast_in_dim3A_55 : vector<128x512xi1>, vector<128x512xi32>
    %reduce_min3A_57 = arith.constant dense<2147483647> : vector<128xi32>
    %reduce_min3A_58 = vector.multi_reduction <minsi>, %select_n3A_56, %reduce_min3A_57 [1] : vector<128x512xi32> to vector<128xi32>
    %broadcast_in_dim3A_59 = vector.shape_cast %reduce_min3A_58 : vector<128xi32> to vector<128x1xi32>
    %eq3A_60 = vector.broadcast %broadcast_in_dim3A_59 : vector<128x1xi32> to vector<128x512xi32>
    %eq3A_61 = arith.cmpi eq, %iota3A, %eq3A_60 : vector<128x512xi32>
    %jit3A_62 = arith.constant 0xFF800000 : f32
    %broadcast_in_dim3A_63 = vector.broadcast %jit3A_62 : f32 to vector<128x512xf32>
    %select_n3A_64 = arith.select %eq3A_61, %broadcast_in_dim3A_63, %select_n3A_48 : vector<128x512xi1>, vector<128x512xf32>
    %reduce_max3A_65 = arith.constant dense<0xFF800000> : vector<128xf32>
    %reduce_max3A_66 = vector.multi_reduction <maximumf>, %select_n3A_64, %reduce_max3A_65 [1] : vector<128x512xf32> to vector<128xf32>
    %broadcast_in_dim3A_67 = vector.shape_cast %reduce_max3A_66 : vector<128xf32> to vector<128x1xf32>
    %eq3A_68 = vector.broadcast %broadcast_in_dim3A_67 : vector<128x1xf32> to vector<128x512xf32>
    %eq3A_69 = arith.cmpf oeq, %select_n3A_64, %eq3A_68 : vector<128x512xf32>
    %jit3A_70 = arith.constant 512 : i32
    %broadcast_in_dim3A_71 = vector.broadcast %jit3A_70 : i32 to vector<128x512xi32>
    %select_n3A_72 = arith.select %eq3A_69, %iota3A, %broadcast_in_dim3A_71 : vector<128x512xi1>, vector<128x512xi32>
    %reduce_min3A_73 = arith.constant dense<2147483647> : vector<128xi32>
    %reduce_min3A_74 = vector.multi_reduction <minsi>, %select_n3A_72, %reduce_min3A_73 [1] : vector<128x512xi32> to vector<128xi32>
    %broadcast_in_dim3A_75 = vector.shape_cast %reduce_min3A_74 : vector<128xi32> to vector<128x1xi32>
    %eq3A_76 = vector.broadcast %broadcast_in_dim3A_75 : vector<128x1xi32> to vector<128x512xi32>
    %eq3A_77 = arith.cmpi eq, %iota3A, %eq3A_76 : vector<128x512xi32>
    %jit3A_78 = arith.constant 0xFF800000 : f32
    %broadcast_in_dim3A_79 = vector.broadcast %jit3A_78 : f32 to vector<128x512xf32>
    %select_n3A_80 = arith.select %eq3A_77, %broadcast_in_dim3A_79, %select_n3A_64 : vector<128x512xi1>, vector<128x512xf32>
    %reduce_max3A_81 = arith.constant dense<0xFF800000> : vector<128xf32>
    %reduce_max3A_82 = vector.multi_reduction <maximumf>, %select_n3A_80, %reduce_max3A_81 [1] : vector<128x512xf32> to vector<128xf32>
    %broadcast_in_dim3A_83 = vector.shape_cast %reduce_max3A_82 : vector<128xf32> to vector<128x1xf32>
    %eq3A_84 = vector.broadcast %broadcast_in_dim3A_83 : vector<128x1xf32> to vector<128x512xf32>
    %eq3A_85 = arith.cmpf oeq, %select_n3A_80, %eq3A_84 : vector<128x512xf32>
    %jit3A_86 = arith.constant 512 : i32
    %broadcast_in_dim3A_87 = vector.broadcast %jit3A_86 : i32 to vector<128x512xi32>
    %select_n3A_88 = arith.select %eq3A_85, %iota3A, %broadcast_in_dim3A_87 : vector<128x512xi1>, vector<128x512xi32>
    %reduce_min3A_89 = arith.constant dense<2147483647> : vector<128xi32>
    %reduce_min3A_90 = vector.multi_reduction <minsi>, %select_n3A_88, %reduce_min3A_89 [1] : vector<128x512xi32> to vector<128xi32>
    %broadcast_in_dim3A_91 = vector.shape_cast %reduce_min3A_90 : vector<128xi32> to vector<128x1xi32>
    %mul3A = arith.constant 6 : i32
    %mul3A_92 = arith.muli %arg0, %mul3A : i32
    %add3A = arith.constant 0 : i32
    %add3A_93 = arith.addi %mul3A_92, %add3A : i32
    %mul3A_94 = arith.constant 512 : i32
    %mul3A_95 = arith.muli %add3A_93, %mul3A_94 : i32
    %concatenate3A = tpu.concatenate %broadcast_in_dim3A_27, %broadcast_in_dim3A_43, %broadcast_in_dim3A_59, %broadcast_in_dim3A_75, %broadcast_in_dim3A_91 in 1 : vector<128x1xi32>, vector<128x1xi32>, vector<128x1xi32>, vector<128x1xi32>, vector<128x1xi32> -> vector<128x5xi32>
    %add3A_96 = vector.broadcast %mul3A_95 : i32 to vector<128x5xi32>
    %add3A_97 = arith.addi %concatenate3A, %add3A_96 : vector<128x5xi32>
    %swap3A = arith.constant 0 : index
    %swap3A_98 = arith.constant 0 : index
    %swap3A_99 = arith.constant 0 : index
    %swap3A_100 = vector.load %arg5[%swap3A, %swap3A_98, %swap3A_99] : memref<6x128x5xi32, #tpu.memory_space<vmem>>, vector<1x128x5xi32>
    %swap3A_101 = vector.shape_cast %swap3A_100 : vector<1x128x5xi32> to vector<128x5xi32>
    %swap3A_102 = vector.shape_cast %add3A_97 : vector<128x5xi32> to vector<1x128x5xi32>
    tpu.vector_store %arg5[%swap3A, %swap3A_98, %swap3A_99], %swap3A_102 {strides = array<i32>} : memref<6x128x5xi32, #tpu.memory_space<vmem>>, vector<1x128x5xi32>,
    %get3A_103 = arith.constant 1 : index
    %get3A_104 = arith.constant 0 : index
    %get3A_105 = arith.constant 0 : index
    %get3A_106 = vector.load %arg1[%get3A_103, %get3A_104, %get3A_105] : memref<6x128x768xf32, #tpu.memory_space<vmem>>, vector<1x128x768xf32>
    %get3A_107 = vector.shape_cast %get3A_106 : vector<1x128x768xf32> to vector<128x768xf32>
    %get3A_108 = arith.constant 1 : index
    %get3A_109 = arith.constant 0 : index
    %get3A_110 = arith.constant 0 : index
    %get3A_111 = vector.load %arg2[%get3A_108, %get3A_109, %get3A_110] : memref<6x128x1xf32, #tpu.memory_space<vmem>>, vector<1x128x1xf32>
    %get3A_112 = vector.shape_cast %get3A_111 : vector<1x128x1xf32> to vector<128x1xf32>
    %div3A_113 = vector.broadcast %get3A_112 : vector<128x1xf32> to vector<128x768xf32>
    %div3A_114 = arith.divf %get3A_107, %div3A_113 : vector<128x768xf32>
    %get3A_115 = arith.constant 1 : index
    %get3A_116 = arith.constant 0 : index
    %get3A_117 = arith.constant 0 : index
    %get3A_118 = vector.load %arg3[%get3A_115, %get3A_116, %get3A_117] : memref<6x512x768xf32, #tpu.memory_space<vmem>>, vector<1x512x768xf32>
    %get3A_119 = vector.shape_cast %get3A_118 : vector<1x512x768xf32> to vector<512x768xf32>
    %get3A_120 = arith.constant 1 : index
    %get3A_121 = arith.constant 0 : index
    %get3A_122 = arith.constant 0 : index
    %get3A_123 = vector.load %arg4[%get3A_120, %get3A_121, %get3A_122] : memref<6x512x1xf32, #tpu.memory_space<vmem>>, vector<1x512x1xf32>
    %get3A_124 = vector.shape_cast %get3A_123 : vector<1x512x1xf32> to vector<512x1xf32>
    %div3A_125 = vector.broadcast %get3A_124 : vector<512x1xf32> to vector<512x768xf32>
    %div3A_126 = arith.divf %get3A_119, %div3A_125 : vector<512x768xf32>
    %dot_general3A_127 = arith.constant dense<0.000000e+00> : vector<128x512xf32>
    %dot_general3A_128 = tpu.matmul %div3A_114, %div3A_126, %dot_general3A_127 {dimension_numbers = #tpu.dot_dimension_numbers<[1], [1], [0], [0], [0, 0, 1, 0], [], []>, transpose_lhs_hint = false} : vector<128x768xf32>, vector<512x768xf32>, vector<128x512xf32> -> vector<128x512xf32>
    %reduce_max3A_129 = arith.constant dense<0xFF800000> : vector<128xf32>
    %reduce_max3A_130 = vector.multi_reduction <maximumf>, %dot_general3A_128, %reduce_max3A_129 [1] : vector<128x512xf32> to vector<128xf32>
    %broadcast_in_dim3A_131 = vector.shape_cast %reduce_max3A_130 : vector<128xf32> to vector<128x1xf32>
    %eq3A_132 = vector.broadcast %broadcast_in_dim3A_131 : vector<128x1xf32> to vector<128x512xf32>
    %eq3A_133 = arith.cmpf oeq, %dot_general3A_128, %eq3A_132 : vector<128x512xf32>
    %jit3A_134 = arith.constant 512 : i32
    %broadcast_in_dim3A_135 = vector.broadcast %jit3A_134 : i32 to vector<128x512xi32>
    %select_n3A_136 = arith.select %eq3A_133, %iota3A, %broadcast_in_dim3A_135 : vector<128x512xi1>, vector<128x512xi32>
    %reduce_min3A_137 = arith.constant dense<2147483647> : vector<128xi32>
    %reduce_min3A_138 = vector.multi_reduction <minsi>, %select_n3A_136, %reduce_min3A_137 [1] : vector<128x512xi32> to vector<128xi32>
    %broadcast_in_dim3A_139 = vector.shape_cast %reduce_min3A_138 : vector<128xi32> to vector<128x1xi32>
    %eq3A_140 = vector.broadcast %broadcast_in_dim3A_139 : vector<128x1xi32> to vector<128x512xi32>
    %eq3A_141 = arith.cmpi eq, %iota3A, %eq3A_140 : vector<128x512xi32>
    %jit3A_142 = arith.constant 0xFF800000 : f32
    %broadcast_in_dim3A_143 = vector.broadcast %jit3A_142 : f32 to vector<128x512xf32>
    %select_n3A_144 = arith.select %eq3A_141, %broadcast_in_dim3A_143, %dot_general3A_128 : vector<128x512xi1>, vector<128x512xf32>
    %reduce_max3A_145 = arith.constant dense<0xFF800000> : vector<128xf32>
    %reduce_max3A_146 = vector.multi_reduction <maximumf>, %select_n3A_144, %reduce_max3A_145 [1] : vector<128x512xf32> to vector<128xf32>
    %broadcast_in_dim3A_147 = vector.shape_cast %reduce_max3A_146 : vector<128xf32> to vector<128x1xf32>
    %eq3A_148 = vector.broadcast %broadcast_in_dim3A_147 : vector<128x1xf32> to vector<128x512xf32>
    %eq3A_149 = arith.cmpf oeq, %select_n3A_144, %eq3A_148 : vector<128x512xf32>
    %jit3A_150 = arith.constant 512 : i32
    %broadcast_in_dim3A_151 = vector.broadcast %jit3A_150 : i32 to vector<128x512xi32>
    %select_n3A_152 = arith.select %eq3A_149, %iota3A, %broadcast_in_dim3A_151 : vector<128x512xi1>, vector<128x512xi32>
    %reduce_min3A_153 = arith.constant dense<2147483647> : vector<128xi32>
    %reduce_min3A_154 = vector.multi_reduction <minsi>, %select_n3A_152, %reduce_min3A_153 [1] : vector<128x512xi32> to vector<128xi32>
    %broadcast_in_dim3A_155 = vector.shape_cast %reduce_min3A_154 : vector<128xi32> to vector<128x1xi32>
    %eq3A_156 = vector.broadcast %broadcast_in_dim3A_155 : vector<128x1xi32> to vector<128x512xi32>
    %eq3A_157 = arith.cmpi eq, %iota3A, %eq3A_156 : vector<128x512xi32>
    %jit3A_158 = arith.constant 0xFF800000 : f32
    %broadcast_in_dim3A_159 = vector.broadcast %jit3A_158 : f32 to vector<128x512xf32>
    %select_n3A_160 = arith.select %eq3A_157, %broadcast_in_dim3A_159, %select_n3A_144 : vector<128x512xi1>, vector<128x512xf32>
    %reduce_max3A_161 = arith.constant dense<0xFF800000> : vector<128xf32>
    %reduce_max3A_162 = vector.multi_reduction <maximumf>, %select_n3A_160, %reduce_max3A_161 [1] : vector<128x512xf32> to vector<128xf32>
    %broadcast_in_dim3A_163 = vector.shape_cast %reduce_max3A_162 : vector<128xf32> to vector<128x1xf32>
    %eq3A_164 = vector.broadcast %broadcast_in_dim3A_163 : vector<128x1xf32> to vector<128x512xf32>
    %eq3A_165 = arith.cmpf oeq, %select_n3A_160, %eq3A_164 : vector<128x512xf32>
    %jit3A_166 = arith.constant 512 : i32
    %broadcast_in_dim3A_167 = vector.broadcast %jit3A_166 : i32 to vector<128x512xi32>
    %select_n3A_168 = arith.select %eq3A_165, %iota3A, %broadcast_in_dim3A_167 : vector<128x512xi1>, vector<128x512xi32>
    %reduce_min3A_169 = arith.constant dense<2147483647> : vector<128xi32>
    %reduce_min3A_170 = vector.multi_reduction <minsi>, %select_n3A_168, %reduce_min3A_169 [1] : vector<128x512xi32> to vector<128xi32>
    %broadcast_in_dim3A_171 = vector.shape_cast %reduce_min3A_170 : vector<128xi32> to vector<128x1xi32>
    %eq3A_172 = vector.broadcast %broadcast_in_dim3A_171 : vector<128x1xi32> to vector<128x512xi32>
    %eq3A_173 = arith.cmpi eq, %iota3A, %eq3A_172 : vector<128x512xi32>
    %jit3A_174 = arith.constant 0xFF800000 : f32
    %broadcast_in_dim3A_175 = vector.broadcast %jit3A_174 : f32 to vector<128x512xf32>
    %select_n3A_176 = arith.select %eq3A_173, %broadcast_in_dim3A_175, %select_n3A_160 : vector<128x512xi1>, vector<128x512xf32>
    %reduce_max3A_177 = arith.constant dense<0xFF800000> : vector<128xf32>
    %reduce_max3A_178 = vector.multi_reduction <maximumf>, %select_n3A_176, %reduce_max3A_177 [1] : vector<128x512xf32> to vector<128xf32>
    %broadcast_in_dim3A_179 = vector.shape_cast %reduce_max3A_178 : vector<128xf32> to vector<128x1xf32>
    %eq3A_180 = vector.broadcast %broadcast_in_dim3A_179 : vector<128x1xf32> to vector<128x512xf32>
    %eq3A_181 = arith.cmpf oeq, %select_n3A_176, %eq3A_180 : vector<128x512xf32>
    %jit3A_182 = arith.constant 512 : i32
    %broadcast_in_dim3A_183 = vector.broadcast %jit3A_182 : i32 to vector<128x512xi32>
    %select_n3A_184 = arith.select %eq3A_181, %iota3A, %broadcast_in_dim3A_183 : vector<128x512xi1>, vector<128x512xi32>
    %reduce_min3A_185 = arith.constant dense<2147483647> : vector<128xi32>
    %reduce_min3A_186 = vector.multi_reduction <minsi>, %select_n3A_184, %reduce_min3A_185 [1] : vector<128x512xi32> to vector<128xi32>
    %broadcast_in_dim3A_187 = vector.shape_cast %reduce_min3A_186 : vector<128xi32> to vector<128x1xi32>
    %eq3A_188 = vector.broadcast %broadcast_in_dim3A_187 : vector<128x1xi32> to vector<128x512xi32>
    %eq3A_189 = arith.cmpi eq, %iota3A, %eq3A_188 : vector<128x512xi32>
    %jit3A_190 = arith.constant 0xFF800000 : f32
    %broadcast_in_dim3A_191 = vector.broadcast %jit3A_190 : f32 to vector<128x512xf32>
    %select_n3A_192 = arith.select %eq3A_189, %broadcast_in_dim3A_191, %select_n3A_176 : vector<128x512xi1>, vector<128x512xf32>
    %reduce_max3A_193 = arith.constant dense<0xFF800000> : vector<128xf32>
    %reduce_max3A_194 = vector.multi_reduction <maximumf>, %select_n3A_192, %reduce_max3A_193 [1] : vector<128x512xf32> to vector<128xf32>
    %broadcast_in_dim3A_195 = vector.shape_cast %reduce_max3A_194 : vector<128xf32> to vector<128x1xf32>
    %eq3A_196 = vector.broadcast %broadcast_in_dim3A_195 : vector<128x1xf32> to vector<128x512xf32>
    %eq3A_197 = arith.cmpf oeq, %select_n3A_192, %eq3A_196 : vector<128x512xf32>
    %jit3A_198 = arith.constant 512 : i32
    %broadcast_in_dim3A_199 = vector.broadcast %jit3A_198 : i32 to vector<128x512xi32>
    %select_n3A_200 = arith.select %eq3A_197, %iota3A, %broadcast_in_dim3A_199 : vector<128x512xi1>, vector<128x512xi32>
    %reduce_min3A_201 = arith.constant dense<2147483647> : vector<128xi32>
    %reduce_min3A_202 = vector.multi_reduction <minsi>, %select_n3A_200, %reduce_min3A_201 [1] : vector<128x512xi32> to vector<128xi32>
    %broadcast_in_dim3A_203 = vector.shape_cast %reduce_min3A_202 : vector<128xi32> to vector<128x1xi32>
    %mul3A_204 = arith.constant 6 : i32
    %mul3A_205 = arith.muli %arg0, %mul3A_204 : i32
    %add3A_206 = arith.constant 1 : i32
    %add3A_207 = arith.addi %mul3A_205, %add3A_206 : i32
    %mul3A_208 = arith.constant 512 : i32
    %mul3A_209 = arith.muli %add3A_207, %mul3A_208 : i32
    %concatenate3A_210 = tpu.concatenate %broadcast_in_dim3A_139, %broadcast_in_dim3A_155, %broadcast_in_dim3A_171, %broadcast_in_dim3A_187, %broadcast_in_dim3A_203 in 1 : vector<128x1xi32>, vector<128x1xi32>, vector<128x1xi32>, vector<128x1xi32>, vector<128x1xi32> -> vector<128x5xi32>
    %add3A_211 = vector.broadcast %mul3A_209 : i32 to vector<128x5xi32>
    %add3A_212 = arith.addi %concatenate3A_210, %add3A_211 : vector<128x5xi32>
    %swap3A_213 = arith.constant 1 : index
    %swap3A_214 = arith.constant 0 : index
    %swap3A_215 = arith.constant 0 : index
    %swap3A_216 = vector.load %arg5[%swap3A_213, %swap3A_214, %swap3A_215] : memref<6x128x5xi32, #tpu.memory_space<vmem>>, vector<1x128x5xi32>
    %swap3A_217 = vector.shape_cast %swap3A_216 : vector<1x128x5xi32> to vector<128x5xi32>
    %swap3A_218 = vector.shape_cast %add3A_212 : vector<128x5xi32> to vector<1x128x5xi32>
    tpu.vector_store %arg5[%swap3A_213, %swap3A_214, %swap3A_215], %swap3A_218 {strides = array<i32>} : memref<6x128x5xi32, #tpu.memory_space<vmem>>, vector<1x128x5xi32>,
    %get3A_219 = arith.constant 2 : index
    %get3A_220 = arith.constant 0 : index
    %get3A_221 = arith.constant 0 : index
    %get3A_222 = vector.load %arg1[%get3A_219, %get3A_220, %get3A_221] : memref<6x128x768xf32, #tpu.memory_space<vmem>>, vector<1x128x768xf32>
    %get3A_223 = vector.shape_cast %get3A_222 : vector<1x128x768xf32> to vector<128x768xf32>
    %get3A_224 = arith.constant 2 : index
    %get3A_225 = arith.constant 0 : index
    %get3A_226 = arith.constant 0 : index
    %get3A_227 = vector.load %arg2[%get3A_224, %get3A_225, %get3A_226] : memref<6x128x1xf32, #tpu.memory_space<vmem>>, vector<1x128x1xf32>
    %get3A_228 = vector.shape_cast %get3A_227 : vector<1x128x1xf32> to vector<128x1xf32>
    %div3A_229 = vector.broadcast %get3A_228 : vector<128x1xf32> to vector<128x768xf32>
    %div3A_230 = arith.divf %get3A_223, %div3A_229 : vector<128x768xf32>
    %get3A_231 = arith.constant 2 : index
    %get3A_232 = arith.constant 0 : index
    %get3A_233 = arith.constant 0 : index
    %get3A_234 = vector.load %arg3[%get3A_231, %get3A_232, %get3A_233] : memref<6x512x768xf32, #tpu.memory_space<vmem>>, vector<1x512x768xf32>
    %get3A_235 = vector.shape_cast %get3A_234 : vector<1x512x768xf32> to vector<512x768xf32>
    %get3A_236 = arith.constant 2 : index
    %get3A_237 = arith.constant 0 : index
    %get3A_238 = arith.constant 0 : index
    %get3A_239 = vector.load %arg4[%get3A_236, %get3A_237, %get3A_238] : memref<6x512x1xf32, #tpu.memory_space<vmem>>, vector<1x512x1xf32>
    %get3A_240 = vector.shape_cast %get3A_239 : vector<1x512x1xf32> to vector<512x1xf32>
    %div3A_241 = vector.broadcast %get3A_240 : vector<512x1xf32> to vector<512x768xf32>
    %div3A_242 = arith.divf %get3A_235, %div3A_241 : vector<512x768xf32>
    %dot_general3A_243 = arith.constant dense<0.000000e+00> : vector<128x512xf32>
    %dot_general3A_244 = tpu.matmul %div3A_230, %div3A_242, %dot_general3A_243 {dimension_numbers = #tpu.dot_dimension_numbers<[1], [1], [0], [0], [0, 0, 1, 0], [], []>, transpose_lhs_hint = false} : vector<128x768xf32>, vector<512x768xf32>, vector<128x512xf32> -> vector<128x512xf32>
    %reduce_max3A_245 = arith.constant dense<0xFF800000> : vector<128xf32>
    %reduce_max3A_246 = vector.multi_reduction <maximumf>, %dot_general3A_244, %reduce_max3A_245 [1] : vector<128x512xf32> to vector<128xf32>
    %broadcast_in_dim3A_247 = vector.shape_cast %reduce_max3A_246 : vector<128xf32> to vector<128x1xf32>
    %eq3A_248 = vector.broadcast %broadcast_in_dim3A_247 : vector<128x1xf32> to vector<128x512xf32>
    %eq3A_249 = arith.cmpf oeq, %dot_general3A_244, %eq3A_248 : vector<128x512xf32>
    %jit3A_250 = arith.constant 512 : i32
    %broadcast_in_dim3A_251 = vector.broadcast %jit3A_250 : i32 to vector<128x512xi32>
    %select_n3A_252 = arith.select %eq3A_249, %iota3A, %broadcast_in_dim3A_251 : vector<128x512xi1>, vector<128x512xi32>
    %reduce_min3A_253 = arith.constant dense<2147483647> : vector<128xi32>
    %reduce_min3A_254 = vector.multi_reduction <minsi>, %select_n3A_252, %reduce_min3A_253 [1] : vector<128x512xi32> to vector<128xi32>
    %broadcast_in_dim3A_255 = vector.shape_cast %reduce_min3A_254 : vector<128xi32> to vector<128x1xi32>
    %eq3A_256 = vector.broadcast %broadcast_in_dim3A_255 : vector<128x1xi32> to vector<128x512xi32>
    %eq3A_257 = arith.cmpi eq, %iota3A, %eq3A_256 : vector<128x512xi32>
    %jit3A_258 = arith.constant 0xFF800000 : f32
    %broadcast_in_dim3A_259 = vector.broadcast %jit3A_258 : f32 to vector<128x512xf32>
    %select_n3A_260 = arith.select %eq3A_257, %broadcast_in_dim3A_259, %dot_general3A_244 : vector<128x512xi1>, vector<128x512xf32>
    %reduce_max3A_261 = arith.constant dense<0xFF800000> : vector<128xf32>
    %reduce_max3A_262 = vector.multi_reduction <maximumf>, %select_n3A_260, %reduce_max3A_261 [1] : vector<128x512xf32> to vector<128xf32>
    %broadcast_in_dim3A_263 = vector.shape_cast %reduce_max3A_262 : vector<128xf32> to vector<128x1xf32>
    %eq3A_264 = vector.broadcast %broadcast_in_dim3A_263 : vector<128x1xf32> to vector<128x512xf32>
    %eq3A_265 = arith.cmpf oeq, %select_n3A_260, %eq3A_264 : vector<128x512xf32>
    %jit3A_266 = arith.constant 512 : i32
    %broadcast_in_dim3A_267 = vector.broadcast %jit3A_266 : i32 to vector<128x512xi32>
    %select_n3A_268 = arith.select %eq3A_265, %iota3A, %broadcast_in_dim3A_267 : vector<128x512xi1>, vector<128x512xi32>
    %reduce_min3A_269 = arith.constant dense<2147483647> : vector<128xi32>
    %reduce_min3A_270 = vector.multi_reduction <minsi>, %select_n3A_268, %reduce_min3A_269 [1] : vector<128x512xi32> to vector<128xi32>
    %broadcast_in_dim3A_271 = vector.shape_cast %reduce_min3A_270 : vector<128xi32> to vector<128x1xi32>
    %eq3A_272 = vector.broadcast %broadcast_in_dim3A_271 : vector<128x1xi32> to vector<128x512xi32>
    %eq3A_273 = arith.cmpi eq, %iota3A, %eq3A_272 : vector<128x512xi32>
    %jit3A_274 = arith.constant 0xFF800000 : f32
    %broadcast_in_dim3A_275 = vector.broadcast %jit3A_274 : f32 to vector<128x512xf32>
    %select_n3A_276 = arith.select %eq3A_273, %broadcast_in_dim3A_275, %select_n3A_260 : vector<128x512xi1>, vector<128x512xf32>
    %reduce_max3A_277 = arith.constant dense<0xFF800000> : vector<128xf32>
    %reduce_max3A_278 = vector.multi_reduction <maximumf>, %select_n3A_276, %reduce_max3A_277 [1] : vector<128x512xf32> to vector<128xf32>
    %broadcast_in_dim3A_279 = vector.shape_cast %reduce_max3A_278 : vector<128xf32> to vector<128x1xf32>
    %eq3A_280 = vector.broadcast %broadcast_in_dim3A_279 : vector<128x1xf32> to vector<128x512xf32>
    %eq3A_281 = arith.cmpf oeq, %select_n3A_276, %eq3A_280 : vector<128x512xf32>
    %jit3A_282 = arith.constant 512 : i32
    %broadcast_in_dim3A_283 = vector.broadcast %jit3A_282 : i32 to vector<128x512xi32>
    %select_n3A_284 = arith.select %eq3A_281, %iota3A, %broadcast_in_dim3A_283 : vector<128x512xi1>, vector<128x512xi32>
    %reduce_min3A_285 = arith.constant dense<2147483647> : vector<128xi32>
    %reduce_min3A_286 = vector.multi_reduction <minsi>, %select_n3A_284, %reduce_min3A_285 [1] : vector<128x512xi32> to vector<128xi32>
    %broadcast_in_dim3A_287 = vector.shape_cast %reduce_min3A_286 : vector<128xi32> to vector<128x1xi32>
    %eq3A_288 = vector.broadcast %broadcast_in_dim3A_287 : vector<128x1xi32> to vector<128x512xi32>
    %eq3A_289 = arith.cmpi eq, %iota3A, %eq3A_288 : vector<128x512xi32>
    %jit3A_290 = arith.constant 0xFF800000 : f32
    %broadcast_in_dim3A_291 = vector.broadcast %jit3A_290 : f32 to vector<128x512xf32>
    %select_n3A_292 = arith.select %eq3A_289, %broadcast_in_dim3A_291, %select_n3A_276 : vector<128x512xi1>, vector<128x512xf32>
    %reduce_max3A_293 = arith.constant dense<0xFF800000> : vector<128xf32>
    %reduce_max3A_294 = vector.multi_reduction <maximumf>, %select_n3A_292, %reduce_max3A_293 [1] : vector<128x512xf32> to vector<128xf32>
    %broadcast_in_dim3A_295 = vector.shape_cast %reduce_max3A_294 : vector<128xf32> to vector<128x1xf32>
    %eq3A_296 = vector.broadcast %broadcast_in_dim3A_295 : vector<128x1xf32> to vector<128x512xf32>
    %eq3A_297 = arith.cmpf oeq, %select_n3A_292, %eq3A_296 : vector<128x512xf32>
    %jit3A_298 = arith.constant 512 : i32
    %broadcast_in_dim3A_299 = vector.broadcast %jit3A_298 : i32 to vector<128x512xi32>
    %select_n3A_300 = arith.select %eq3A_297, %iota3A, %broadcast_in_dim3A_299 : vector<128x512xi1>, vector<128x512xi32>
    %reduce_min3A_301 = arith.constant dense<2147483647> : vector<128xi32>
    %reduce_min3A_302 = vector.multi_reduction <minsi>, %select_n3A_300, %reduce_min3A_301 [1] : vector<128x512xi32> to vector<128xi32>
    %broadcast_in_dim3A_303 = vector.shape_cast %reduce_min3A_302 : vector<128xi32> to vector<128x1xi32>
    %eq3A_304 = vector.broadcast %broadcast_in_dim3A_303 : vector<128x1xi32> to vector<128x512xi32>
    %eq3A_305 = arith.cmpi eq, %iota3A, %eq3A_304 : vector<128x512xi32>
    %jit3A_306 = arith.constant 0xFF800000 : f32
    %broadcast_in_dim3A_307 = vector.broadcast %jit3A_306 : f32 to vector<128x512xf32>
    %select_n3A_308 = arith.select %eq3A_305, %broadcast_in_dim3A_307, %select_n3A_292 : vector<128x512xi1>, vector<128x512xf32>
    %reduce_max3A_309 = arith.constant dense<0xFF800000> : vector<128xf32>
    %reduce_max3A_310 = vector.multi_reduction <maximumf>, %select_n3A_308, %reduce_max3A_309 [1] : vector<128x512xf32> to vector<128xf32>
    %broadcast_in_dim3A_311 = vector.shape_cast %reduce_max3A_310 : vector<128xf32> to vector<128x1xf32>
    %eq3A_312 = vector.broadcast %broadcast_in_dim3A_311 : vector<128x1xf32> to vector<128x512xf32>
    %eq3A_313 = arith.cmpf oeq, %select_n3A_308, %eq3A_312 : vector<128x512xf32>
    %jit3A_314 = arith.constant 512 : i32
    %broadcast_in_dim3A_315 = vector.broadcast %jit3A_314 : i32 to vector<128x512xi32>
    %select_n3A_316 = arith.select %eq3A_313, %iota3A, %broadcast_in_dim3A_315 : vector<128x512xi1>, vector<128x512xi32>
    %reduce_min3A_317 = arith.constant dense<2147483647> : vector<128xi32>
    %reduce_min3A_318 = vector.multi_reduction <minsi>, %select_n3A_316, %reduce_min3A_317 [1] : vector<128x512xi32> to vector<128xi32>
    %broadcast_in_dim3A_319 = vector.shape_cast %reduce_min3A_318 : vector<128xi32> to vector<128x1xi32>
    %mul3A_320 = arith.constant 6 : i32
    %mul3A_321 = arith.muli %arg0, %mul3A_320 : i32
    %add3A_322 = arith.constant 2 : i32
    %add3A_323 = arith.addi %mul3A_321, %add3A_322 : i32
    %mul3A_324 = arith.constant 512 : i32
    %mul3A_325 = arith.muli %add3A_323, %mul3A_324 : i32
    %concatenate3A_326 = tpu.concatenate %broadcast_in_dim3A_255, %broadcast_in_dim3A_271, %broadcast_in_dim3A_287, %broadcast_in_dim3A_303, %broadcast_in_dim3A_319 in 1 : vector<128x1xi32>, vector<128x1xi32>, vector<128x1xi32>, vector<128x1xi32>, vector<128x1xi32> -> vector<128x5xi32>
    %add3A_327 = vector.broadcast %mul3A_325 : i32 to vector<128x5xi32>
    %add3A_328 = arith.addi %concatenate3A_326, %add3A_327 : vector<128x5xi32>
    %swap3A_329 = arith.constant 2 : index
    %swap3A_330 = arith.constant 0 : index
    %swap3A_331 = arith.constant 0 : index
    %swap3A_332 = vector.load %arg5[%swap3A_329, %swap3A_330, %swap3A_331] : memref<6x128x5xi32, #tpu.memory_space<vmem>>, vector<1x128x5xi32>
    %swap3A_333 = vector.shape_cast %swap3A_332 : vector<1x128x5xi32> to vector<128x5xi32>
    %swap3A_334 = vector.shape_cast %add3A_328 : vector<128x5xi32> to vector<1x128x5xi32>
    tpu.vector_store %arg5[%swap3A_329, %swap3A_330, %swap3A_331], %swap3A_334 {strides = array<i32>} : memref<6x128x5xi32, #tpu.memory_space<vmem>>, vector<1x128x5xi32>,
    %get3A_335 = arith.constant 3 : index
    %get3A_336 = arith.constant 0 : index
    %get3A_337 = arith.constant 0 : index
    %get3A_338 = vector.load %arg1[%get3A_335, %get3A_336, %get3A_337] : memref<6x128x768xf32, #tpu.memory_space<vmem>>, vector<1x128x768xf32>
    %get3A_339 = vector.shape_cast %get3A_338 : vector<1x128x768xf32> to vector<128x768xf32>
    %get3A_340 = arith.constant 3 : index
    %get3A_341 = arith.constant 0 : index
    %get3A_342 = arith.constant 0 : index
    %get3A_343 = vector.load %arg2[%get3A_340, %get3A_341, %get3A_342] : memref<6x128x1xf32, #tpu.memory_space<vmem>>, vector<1x128x1xf32>
    %get3A_344 = vector.shape_cast %get3A_343 : vector<1x128x1xf32> to vector<128x1xf32>
    %div3A_345 = vector.broadcast %get3A_344 : vector<128x1xf32> to vector<128x768xf32>
    %div3A_346 = arith.divf %get3A_339, %div3A_345 : vector<128x768xf32>
    %get3A_347 = arith.constant 3 : index
    %get3A_348 = arith.constant 0 : index
    %get3A_349 = arith.constant 0 : index
    %get3A_350 = vector.load %arg3[%get3A_347, %get3A_348, %get3A_349] : memref<6x512x768xf32, #tpu.memory_space<vmem>>, vector<1x512x768xf32>
    %get3A_351 = vector.shape_cast %get3A_350 : vector<1x512x768xf32> to vector<512x768xf32>
    %get3A_352 = arith.constant 3 : index
    %get3A_353 = arith.constant 0 : index
    %get3A_354 = arith.constant 0 : index
    %get3A_355 = vector.load %arg4[%get3A_352, %get3A_353, %get3A_354] : memref<6x512x1xf32, #tpu.memory_space<vmem>>, vector<1x512x1xf32>
    %get3A_356 = vector.shape_cast %get3A_355 : vector<1x512x1xf32> to vector<512x1xf32>
    %div3A_357 = vector.broadcast %get3A_356 : vector<512x1xf32> to vector<512x768xf32>
    %div3A_358 = arith.divf %get3A_351, %div3A_357 : vector<512x768xf32>
    %dot_general3A_359 = arith.constant dense<0.000000e+00> : vector<128x512xf32>
    %dot_general3A_360 = tpu.matmul %div3A_346, %div3A_358, %dot_general3A_359 {dimension_numbers = #tpu.dot_dimension_numbers<[1], [1], [0], [0], [0, 0, 1, 0], [], []>, transpose_lhs_hint = false} : vector<128x768xf32>, vector<512x768xf32>, vector<128x512xf32> -> vector<128x512xf32>
    %reduce_max3A_361 = arith.constant dense<0xFF800000> : vector<128xf32>
    %reduce_max3A_362 = vector.multi_reduction <maximumf>, %dot_general3A_360, %reduce_max3A_361 [1] : vector<128x512xf32> to vector<128xf32>
    %broadcast_in_dim3A_363 = vector.shape_cast %reduce_max3A_362 : vector<128xf32> to vector<128x1xf32>
    %eq3A_364 = vector.broadcast %broadcast_in_dim3A_363 : vector<128x1xf32> to vector<128x512xf32>
    %eq3A_365 = arith.cmpf oeq, %dot_general3A_360, %eq3A_364 : vector<128x512xf32>
    %jit3A_366 = arith.constant 512 : i32
    %broadcast_in_dim3A_367 = vector.broadcast %jit3A_366 : i32 to vector<128x512xi32>
    %select_n3A_368 = arith.select %eq3A_365, %iota3A, %broadcast_in_dim3A_367 : vector<128x512xi1>, vector<128x512xi32>
    %reduce_min3A_369 = arith.constant dense<2147483647> : vector<128xi32>
    %reduce_min3A_370 = vector.multi_reduction <minsi>, %select_n3A_368, %reduce_min3A_369 [1] : vector<128x512xi32> to vector<128xi32>
    %broadcast_in_dim3A_371 = vector.shape_cast %reduce_min3A_370 : vector<128xi32> to vector<128x1xi32>
    %eq3A_372 = vector.broadcast %broadcast_in_dim3A_371 : vector<128x1xi32> to vector<128x512xi32>
    %eq3A_373 = arith.cmpi eq, %iota3A, %eq3A_372 : vector<128x512xi32>
    %jit3A_374 = arith.constant 0xFF800000 : f32
    %broadcast_in_dim3A_375 = vector.broadcast %jit3A_374 : f32 to vector<128x512xf32>
    %select_n3A_376 = arith.select %eq3A_373, %broadcast_in_dim3A_375, %dot_general3A_360 : vector<128x512xi1>, vector<128x512xf32>
    %reduce_max3A_377 = arith.constant dense<0xFF800000> : vector<128xf32>
    %reduce_max3A_378 = vector.multi_reduction <maximumf>, %select_n3A_376, %reduce_max3A_377 [1] : vector<128x512xf32> to vector<128xf32>
    %broadcast_in_dim3A_379 = vector.shape_cast %reduce_max3A_378 : vector<128xf32> to vector<128x1xf32>
    %eq3A_380 = vector.broadcast %broadcast_in_dim3A_379 : vector<128x1xf32> to vector<128x512xf32>
    %eq3A_381 = arith.cmpf oeq, %select_n3A_376, %eq3A_380 : vector<128x512xf32>
    %jit3A_382 = arith.constant 512 : i32
    %broadcast_in_dim3A_383 = vector.broadcast %jit3A_382 : i32 to vector<128x512xi32>
    %select_n3A_384 = arith.select %eq3A_381, %iota3A, %broadcast_in_dim3A_383 : vector<128x512xi1>, vector<128x512xi32>
    %reduce_min3A_385 = arith.constant dense<2147483647> : vector<128xi32>
    %reduce_min3A_386 = vector.multi_reduction <minsi>, %select_n3A_384, %reduce_min3A_385 [1] : vector<128x512xi32> to vector<128xi32>
    %broadcast_in_dim3A_387 = vector.shape_cast %reduce_min3A_386 : vector<128xi32> to vector<128x1xi32>
    %eq3A_388 = vector.broadcast %broadcast_in_dim3A_387 : vector<128x1xi32> to vector<128x512xi32>
    %eq3A_389 = arith.cmpi eq, %iota3A, %eq3A_388 : vector<128x512xi32>
    %jit3A_390 = arith.constant 0xFF800000 : f32
    %broadcast_in_dim3A_391 = vector.broadcast %jit3A_390 : f32 to vector<128x512xf32>
    %select_n3A_392 = arith.select %eq3A_389, %broadcast_in_dim3A_391, %select_n3A_376 : vector<128x512xi1>, vector<128x512xf32>
    %reduce_max3A_393 = arith.constant dense<0xFF800000> : vector<128xf32>
    %reduce_max3A_394 = vector.multi_reduction <maximumf>, %select_n3A_392, %reduce_max3A_393 [1] : vector<128x512xf32> to vector<128xf32>
    %broadcast_in_dim3A_395 = vector.shape_cast %reduce_max3A_394 : vector<128xf32> to vector<128x1xf32>
    %eq3A_396 = vector.broadcast %broadcast_in_dim3A_395 : vector<128x1xf32> to vector<128x512xf32>
    %eq3A_397 = arith.cmpf oeq, %select_n3A_392, %eq3A_396 : vector<128x512xf32>
    %jit3A_398 = arith.constant 512 : i32
    %broadcast_in_dim3A_399 = vector.broadcast %jit3A_398 : i32 to vector<128x512xi32>
    %select_n3A_400 = arith.select %eq3A_397, %iota3A, %broadcast_in_dim3A_399 : vector<128x512xi1>, vector<128x512xi32>
    %reduce_min3A_401 = arith.constant dense<2147483647> : vector<128xi32>
    %reduce_min3A_402 = vector.multi_reduction <minsi>, %select_n3A_400, %reduce_min3A_401 [1] : vector<128x512xi32> to vector<128xi32>
    %broadcast_in_dim3A_403 = vector.shape_cast %reduce_min3A_402 : vector<128xi32> to vector<128x1xi32>
    %eq3A_404 = vector.broadcast %broadcast_in_dim3A_403 : vector<128x1xi32> to vector<128x512xi32>
    %eq3A_405 = arith.cmpi eq, %iota3A, %eq3A_404 : vector<128x512xi32>
    %jit3A_406 = arith.constant 0xFF800000 : f32
    %broadcast_in_dim3A_407 = vector.broadcast %jit3A_406 : f32 to vector<128x512xf32>
    %select_n3A_408 = arith.select %eq3A_405, %broadcast_in_dim3A_407, %select_n3A_392 : vector<128x512xi1>, vector<128x512xf32>
    %reduce_max3A_409 = arith.constant dense<0xFF800000> : vector<128xf32>
    %reduce_max3A_410 = vector.multi_reduction <maximumf>, %select_n3A_408, %reduce_max3A_409 [1] : vector<128x512xf32> to vector<128xf32>
    %broadcast_in_dim3A_411 = vector.shape_cast %reduce_max3A_410 : vector<128xf32> to vector<128x1xf32>
    %eq3A_412 = vector.broadcast %broadcast_in_dim3A_411 : vector<128x1xf32> to vector<128x512xf32>
    %eq3A_413 = arith.cmpf oeq, %select_n3A_408, %eq3A_412 : vector<128x512xf32>
    %jit3A_414 = arith.constant 512 : i32
    %broadcast_in_dim3A_415 = vector.broadcast %jit3A_414 : i32 to vector<128x512xi32>
    %select_n3A_416 = arith.select %eq3A_413, %iota3A, %broadcast_in_dim3A_415 : vector<128x512xi1>, vector<128x512xi32>
    %reduce_min3A_417 = arith.constant dense<2147483647> : vector<128xi32>
    %reduce_min3A_418 = vector.multi_reduction <minsi>, %select_n3A_416, %reduce_min3A_417 [1] : vector<128x512xi32> to vector<128xi32>
    %broadcast_in_dim3A_419 = vector.shape_cast %reduce_min3A_418 : vector<128xi32> to vector<128x1xi32>
    %eq3A_420 = vector.broadcast %broadcast_in_dim3A_419 : vector<128x1xi32> to vector<128x512xi32>
    %eq3A_421 = arith.cmpi eq, %iota3A, %eq3A_420 : vector<128x512xi32>
    %jit3A_422 = arith.constant 0xFF800000 : f32
    %broadcast_in_dim3A_423 = vector.broadcast %jit3A_422 : f32 to vector<128x512xf32>
    %select_n3A_424 = arith.select %eq3A_421, %broadcast_in_dim3A_423, %select_n3A_408 : vector<128x512xi1>, vector<128x512xf32>
    %reduce_max3A_425 = arith.constant dense<0xFF800000> : vector<128xf32>
    %reduce_max3A_426 = vector.multi_reduction <maximumf>, %select_n3A_424, %reduce_max3A_425 [1] : vector<128x512xf32> to vector<128xf32>
    %broadcast_in_dim3A_427 = vector.shape_cast %reduce_max3A_426 : vector<128xf32> to vector<128x1xf32>
    %eq3A_428 = vector.broadcast %broadcast_in_dim3A_427 : vector<128x1xf32> to vector<128x512xf32>
    %eq3A_429 = arith.cmpf oeq, %select_n3A_424, %eq3A_428 : vector<128x512xf32>
    %jit3A_430 = arith.constant 512 : i32
    %broadcast_in_dim3A_431 = vector.broadcast %jit3A_430 : i32 to vector<128x512xi32>
    %select_n3A_432 = arith.select %eq3A_429, %iota3A, %broadcast_in_dim3A_431 : vector<128x512xi1>, vector<128x512xi32>
    %reduce_min3A_433 = arith.constant dense<2147483647> : vector<128xi32>
    %reduce_min3A_434 = vector.multi_reduction <minsi>, %select_n3A_432, %reduce_min3A_433 [1] : vector<128x512xi32> to vector<128xi32>
    %broadcast_in_dim3A_435 = vector.shape_cast %reduce_min3A_434 : vector<128xi32> to vector<128x1xi32>
    %mul3A_436 = arith.constant 6 : i32
    %mul3A_437 = arith.muli %arg0, %mul3A_436 : i32
    %add3A_438 = arith.constant 3 : i32
    %add3A_439 = arith.addi %mul3A_437, %add3A_438 : i32
    %mul3A_440 = arith.constant 512 : i32
    %mul3A_441 = arith.muli %add3A_439, %mul3A_440 : i32
    %concatenate3A_442 = tpu.concatenate %broadcast_in_dim3A_371, %broadcast_in_dim3A_387, %broadcast_in_dim3A_403, %broadcast_in_dim3A_419, %broadcast_in_dim3A_435 in 1 : vector<128x1xi32>, vector<128x1xi32>, vector<128x1xi32>, vector<128x1xi32>, vector<128x1xi32> -> vector<128x5xi32>
    %add3A_443 = vector.broadcast %mul3A_441 : i32 to vector<128x5xi32>
    %add3A_444 = arith.addi %concatenate3A_442, %add3A_443 : vector<128x5xi32>
    %swap3A_445 = arith.constant 3 : index
    %swap3A_446 = arith.constant 0 : index
    %swap3A_447 = arith.constant 0 : index
    %swap3A_448 = vector.load %arg5[%swap3A_445, %swap3A_446, %swap3A_447] : memref<6x128x5xi32, #tpu.memory_space<vmem>>, vector<1x128x5xi32>
    %swap3A_449 = vector.shape_cast %swap3A_448 : vector<1x128x5xi32> to vector<128x5xi32>
    %swap3A_450 = vector.shape_cast %add3A_444 : vector<128x5xi32> to vector<1x128x5xi32>
    tpu.vector_store %arg5[%swap3A_445, %swap3A_446, %swap3A_447], %swap3A_450 {strides = array<i32>} : memref<6x128x5xi32, #tpu.memory_space<vmem>>, vector<1x128x5xi32>,
    %get3A_451 = arith.constant 4 : index
    %get3A_452 = arith.constant 0 : index
    %get3A_453 = arith.constant 0 : index
    %get3A_454 = vector.load %arg1[%get3A_451, %get3A_452, %get3A_453] : memref<6x128x768xf32, #tpu.memory_space<vmem>>, vector<1x128x768xf32>
    %get3A_455 = vector.shape_cast %get3A_454 : vector<1x128x768xf32> to vector<128x768xf32>
    %get3A_456 = arith.constant 4 : index
    %get3A_457 = arith.constant 0 : index
    %get3A_458 = arith.constant 0 : index
    %get3A_459 = vector.load %arg2[%get3A_456, %get3A_457, %get3A_458] : memref<6x128x1xf32, #tpu.memory_space<vmem>>, vector<1x128x1xf32>
    %get3A_460 = vector.shape_cast %get3A_459 : vector<1x128x1xf32> to vector<128x1xf32>
    %div3A_461 = vector.broadcast %get3A_460 : vector<128x1xf32> to vector<128x768xf32>
    %div3A_462 = arith.divf %get3A_455, %div3A_461 : vector<128x768xf32>
    %get3A_463 = arith.constant 4 : index
    %get3A_464 = arith.constant 0 : index
    %get3A_465 = arith.constant 0 : index
    %get3A_466 = vector.load %arg3[%get3A_463, %get3A_464, %get3A_465] : memref<6x512x768xf32, #tpu.memory_space<vmem>>, vector<1x512x768xf32>
    %get3A_467 = vector.shape_cast %get3A_466 : vector<1x512x768xf32> to vector<512x768xf32>
    %get3A_468 = arith.constant 4 : index
    %get3A_469 = arith.constant 0 : index
    %get3A_470 = arith.constant 0 : index
    %get3A_471 = vector.load %arg4[%get3A_468, %get3A_469, %get3A_470] : memref<6x512x1xf32, #tpu.memory_space<vmem>>, vector<1x512x1xf32>
    %get3A_472 = vector.shape_cast %get3A_471 : vector<1x512x1xf32> to vector<512x1xf32>
    %div3A_473 = vector.broadcast %get3A_472 : vector<512x1xf32> to vector<512x768xf32>
    %div3A_474 = arith.divf %get3A_467, %div3A_473 : vector<512x768xf32>
    %dot_general3A_475 = arith.constant dense<0.000000e+00> : vector<128x512xf32>
    %dot_general3A_476 = tpu.matmul %div3A_462, %div3A_474, %dot_general3A_475 {dimension_numbers = #tpu.dot_dimension_numbers<[1], [1], [0], [0], [0, 0, 1, 0], [], []>, transpose_lhs_hint = false} : vector<128x768xf32>, vector<512x768xf32>, vector<128x512xf32> -> vector<128x512xf32>
    %reduce_max3A_477 = arith.constant dense<0xFF800000> : vector<128xf32>
    %reduce_max3A_478 = vector.multi_reduction <maximumf>, %dot_general3A_476, %reduce_max3A_477 [1] : vector<128x512xf32> to vector<128xf32>
    %broadcast_in_dim3A_479 = vector.shape_cast %reduce_max3A_478 : vector<128xf32> to vector<128x1xf32>
    %eq3A_480 = vector.broadcast %broadcast_in_dim3A_479 : vector<128x1xf32> to vector<128x512xf32>
    %eq3A_481 = arith.cmpf oeq, %dot_general3A_476, %eq3A_480 : vector<128x512xf32>
    %jit3A_482 = arith.constant 512 : i32
    %broadcast_in_dim3A_483 = vector.broadcast %jit3A_482 : i32 to vector<128x512xi32>
    %select_n3A_484 = arith.select %eq3A_481, %iota3A, %broadcast_in_dim3A_483 : vector<128x512xi1>, vector<128x512xi32>
    %reduce_min3A_485 = arith.constant dense<2147483647> : vector<128xi32>
    %reduce_min3A_486 = vector.multi_reduction <minsi>, %select_n3A_484, %reduce_min3A_485 [1] : vector<128x512xi32> to vector<128xi32>
    %broadcast_in_dim3A_487 = vector.shape_cast %reduce_min3A_486 : vector<128xi32> to vector<128x1xi32>
    %eq3A_488 = vector.broadcast %broadcast_in_dim3A_487 : vector<128x1xi32> to vector<128x512xi32>
    %eq3A_489 = arith.cmpi eq, %iota3A, %eq3A_488 : vector<128x512xi32>
    %jit3A_490 = arith.constant 0xFF800000 : f32
    %broadcast_in_dim3A_491 = vector.broadcast %jit3A_490 : f32 to vector<128x512xf32>
    %select_n3A_492 = arith.select %eq3A_489, %broadcast_in_dim3A_491, %dot_general3A_476 : vector<128x512xi1>, vector<128x512xf32>
    %reduce_max3A_493 = arith.constant dense<0xFF800000> : vector<128xf32>
    %reduce_max3A_494 = vector.multi_reduction <maximumf>, %select_n3A_492, %reduce_max3A_493 [1] : vector<128x512xf32> to vector<128xf32>
    %broadcast_in_dim3A_495 = vector.shape_cast %reduce_max3A_494 : vector<128xf32> to vector<128x1xf32>
    %eq3A_496 = vector.broadcast %broadcast_in_dim3A_495 : vector<128x1xf32> to vector<128x512xf32>
    %eq3A_497 = arith.cmpf oeq, %select_n3A_492, %eq3A_496 : vector<128x512xf32>
    %jit3A_498 = arith.constant 512 : i32
    %broadcast_in_dim3A_499 = vector.broadcast %jit3A_498 : i32 to vector<128x512xi32>
    %select_n3A_500 = arith.select %eq3A_497, %iota3A, %broadcast_in_dim3A_499 : vector<128x512xi1>, vector<128x512xi32>
    %reduce_min3A_501 = arith.constant dense<2147483647> : vector<128xi32>
    %reduce_min3A_502 = vector.multi_reduction <minsi>, %select_n3A_500, %reduce_min3A_501 [1] : vector<128x512xi32> to vector<128xi32>
    %broadcast_in_dim3A_503 = vector.shape_cast %reduce_min3A_502 : vector<128xi32> to vector<128x1xi32>
    %eq3A_504 = vector.broadcast %broadcast_in_dim3A_503 : vector<128x1xi32> to vector<128x512xi32>
    %eq3A_505 = arith.cmpi eq, %iota3A, %eq3A_504 : vector<128x512xi32>
    %jit3A_506 = arith.constant 0xFF800000 : f32
    %broadcast_in_dim3A_507 = vector.broadcast %jit3A_506 : f32 to vector<128x512xf32>
    %select_n3A_508 = arith.select %eq3A_505, %broadcast_in_dim3A_507, %select_n3A_492 : vector<128x512xi1>, vector<128x512xf32>
    %reduce_max3A_509 = arith.constant dense<0xFF800000> : vector<128xf32>
    %reduce_max3A_510 = vector.multi_reduction <maximumf>, %select_n3A_508, %reduce_max3A_509 [1] : vector<128x512xf32> to vector<128xf32>
    %broadcast_in_dim3A_511 = vector.shape_cast %reduce_max3A_510 : vector<128xf32> to vector<128x1xf32>
    %eq3A_512 = vector.broadcast %broadcast_in_dim3A_511 : vector<128x1xf32> to vector<128x512xf32>
    %eq3A_513 = arith.cmpf oeq, %select_n3A_508, %eq3A_512 : vector<128x512xf32>
    %jit3A_514 = arith.constant 512 : i32
    %broadcast_in_dim3A_515 = vector.broadcast %jit3A_514 : i32 to vector<128x512xi32>
    %select_n3A_516 = arith.select %eq3A_513, %iota3A, %broadcast_in_dim3A_515 : vector<128x512xi1>, vector<128x512xi32>
    %reduce_min3A_517 = arith.constant dense<2147483647> : vector<128xi32>
    %reduce_min3A_518 = vector.multi_reduction <minsi>, %select_n3A_516, %reduce_min3A_517 [1] : vector<128x512xi32> to vector<128xi32>
    %broadcast_in_dim3A_519 = vector.shape_cast %reduce_min3A_518 : vector<128xi32> to vector<128x1xi32>
    %eq3A_520 = vector.broadcast %broadcast_in_dim3A_519 : vector<128x1xi32> to vector<128x512xi32>
    %eq3A_521 = arith.cmpi eq, %iota3A, %eq3A_520 : vector<128x512xi32>
    %jit3A_522 = arith.constant 0xFF800000 : f32
    %broadcast_in_dim3A_523 = vector.broadcast %jit3A_522 : f32 to vector<128x512xf32>
    %select_n3A_524 = arith.select %eq3A_521, %broadcast_in_dim3A_523, %select_n3A_508 : vector<128x512xi1>, vector<128x512xf32>
    %reduce_max3A_525 = arith.constant dense<0xFF800000> : vector<128xf32>
    %reduce_max3A_526 = vector.multi_reduction <maximumf>, %select_n3A_524, %reduce_max3A_525 [1] : vector<128x512xf32> to vector<128xf32>
    %broadcast_in_dim3A_527 = vector.shape_cast %reduce_max3A_526 : vector<128xf32> to vector<128x1xf32>
    %eq3A_528 = vector.broadcast %broadcast_in_dim3A_527 : vector<128x1xf32> to vector<128x512xf32>
    %eq3A_529 = arith.cmpf oeq, %select_n3A_524, %eq3A_528 : vector<128x512xf32>
    %jit3A_530 = arith.constant 512 : i32
    %broadcast_in_dim3A_531 = vector.broadcast %jit3A_530 : i32 to vector<128x512xi32>
    %select_n3A_532 = arith.select %eq3A_529, %iota3A, %broadcast_in_dim3A_531 : vector<128x512xi1>, vector<128x512xi32>
    %reduce_min3A_533 = arith.constant dense<2147483647> : vector<128xi32>
    %reduce_min3A_534 = vector.multi_reduction <minsi>, %select_n3A_532, %reduce_min3A_533 [1] : vector<128x512xi32> to vector<128xi32>
    %broadcast_in_dim3A_535 = vector.shape_cast %reduce_min3A_534 : vector<128xi32> to vector<128x1xi32>
    %eq3A_536 = vector.broadcast %broadcast_in_dim3A_535 : vector<128x1xi32> to vector<128x512xi32>
    %eq3A_537 = arith.cmpi eq, %iota3A, %eq3A_536 : vector<128x512xi32>
    %jit3A_538 = arith.constant 0xFF800000 : f32
    %broadcast_in_dim3A_539 = vector.broadcast %jit3A_538 : f32 to vector<128x512xf32>
    %select_n3A_540 = arith.select %eq3A_537, %broadcast_in_dim3A_539, %select_n3A_524 : vector<128x512xi1>, vector<128x512xf32>
    %reduce_max3A_541 = arith.constant dense<0xFF800000> : vector<128xf32>
    %reduce_max3A_542 = vector.multi_reduction <maximumf>, %select_n3A_540, %reduce_max3A_541 [1] : vector<128x512xf32> to vector<128xf32>
    %broadcast_in_dim3A_543 = vector.shape_cast %reduce_max3A_542 : vector<128xf32> to vector<128x1xf32>
    %eq3A_544 = vector.broadcast %broadcast_in_dim3A_543 : vector<128x1xf32> to vector<128x512xf32>
    %eq3A_545 = arith.cmpf oeq, %select_n3A_540, %eq3A_544 : vector<128x512xf32>
    %jit3A_546 = arith.constant 512 : i32
    %broadcast_in_dim3A_547 = vector.broadcast %jit3A_546 : i32 to vector<128x512xi32>
    %select_n3A_548 = arith.select %eq3A_545, %iota3A, %broadcast_in_dim3A_547 : vector<128x512xi1>, vector<128x512xi32>
    %reduce_min3A_549 = arith.constant dense<2147483647> : vector<128xi32>
    %reduce_min3A_550 = vector.multi_reduction <minsi>, %select_n3A_548, %reduce_min3A_549 [1] : vector<128x512xi32> to vector<128xi32>
    %broadcast_in_dim3A_551 = vector.shape_cast %reduce_min3A_550 : vector<128xi32> to vector<128x1xi32>
    %mul3A_552 = arith.constant 6 : i32
    %mul3A_553 = arith.muli %arg0, %mul3A_552 : i32
    %add3A_554 = arith.constant 4 : i32
    %add3A_555 = arith.addi %mul3A_553, %add3A_554 : i32
    %mul3A_556 = arith.constant 512 : i32
    %mul3A_557 = arith.muli %add3A_555, %mul3A_556 : i32
    %concatenate3A_558 = tpu.concatenate %broadcast_in_dim3A_487, %broadcast_in_dim3A_503, %broadcast_in_dim3A_519, %broadcast_in_dim3A_535, %broadcast_in_dim3A_551 in 1 : vector<128x1xi32>, vector<128x1xi32>, vector<128x1xi32>, vector<128x1xi32>, vector<128x1xi32> -> vector<128x5xi32>
    %add3A_559 = vector.broadcast %mul3A_557 : i32 to vector<128x5xi32>
    %add3A_560 = arith.addi %concatenate3A_558, %add3A_559 : vector<128x5xi32>
    %swap3A_561 = arith.constant 4 : index
    %swap3A_562 = arith.constant 0 : index
    %swap3A_563 = arith.constant 0 : index
    %swap3A_564 = vector.load %arg5[%swap3A_561, %swap3A_562, %swap3A_563] : memref<6x128x5xi32, #tpu.memory_space<vmem>>, vector<1x128x5xi32>
    %swap3A_565 = vector.shape_cast %swap3A_564 : vector<1x128x5xi32> to vector<128x5xi32>
    %swap3A_566 = vector.shape_cast %add3A_560 : vector<128x5xi32> to vector<1x128x5xi32>
    tpu.vector_store %arg5[%swap3A_561, %swap3A_562, %swap3A_563], %swap3A_566 {strides = array<i32>} : memref<6x128x5xi32, #tpu.memory_space<vmem>>, vector<1x128x5xi32>,
    %get3A_567 = arith.constant 5 : index
    %get3A_568 = arith.constant 0 : index
    %get3A_569 = arith.constant 0 : index
    %get3A_570 = vector.load %arg1[%get3A_567, %get3A_568, %get3A_569] : memref<6x128x768xf32, #tpu.memory_space<vmem>>, vector<1x128x768xf32>
    %get3A_571 = vector.shape_cast %get3A_570 : vector<1x128x768xf32> to vector<128x768xf32>
    %get3A_572 = arith.constant 5 : index
    %get3A_573 = arith.constant 0 : index
    %get3A_574 = arith.constant 0 : index
    %get3A_575 = vector.load %arg2[%get3A_572, %get3A_573, %get3A_574] : memref<6x128x1xf32, #tpu.memory_space<vmem>>, vector<1x128x1xf32>
    %get3A_576 = vector.shape_cast %get3A_575 : vector<1x128x1xf32> to vector<128x1xf32>
    %div3A_577 = vector.broadcast %get3A_576 : vector<128x1xf32> to vector<128x768xf32>
    %div3A_578 = arith.divf %get3A_571, %div3A_577 : vector<128x768xf32>
    %get3A_579 = arith.constant 5 : index
    %get3A_580 = arith.constant 0 : index
    %get3A_581 = arith.constant 0 : index
    %get3A_582 = vector.load %arg3[%get3A_579, %get3A_580, %get3A_581] : memref<6x512x768xf32, #tpu.memory_space<vmem>>, vector<1x512x768xf32>
    %get3A_583 = vector.shape_cast %get3A_582 : vector<1x512x768xf32> to vector<512x768xf32>
    %get3A_584 = arith.constant 5 : index
    %get3A_585 = arith.constant 0 : index
    %get3A_586 = arith.constant 0 : index
    %get3A_587 = vector.load %arg4[%get3A_584, %get3A_585, %get3A_586] : memref<6x512x1xf32, #tpu.memory_space<vmem>>, vector<1x512x1xf32>
    %get3A_588 = vector.shape_cast %get3A_587 : vector<1x512x1xf32> to vector<512x1xf32>
    %div3A_589 = vector.broadcast %get3A_588 : vector<512x1xf32> to vector<512x768xf32>
    %div3A_590 = arith.divf %get3A_583, %div3A_589 : vector<512x768xf32>
    %dot_general3A_591 = arith.constant dense<0.000000e+00> : vector<128x512xf32>
    %dot_general3A_592 = tpu.matmul %div3A_578, %div3A_590, %dot_general3A_591 {dimension_numbers = #tpu.dot_dimension_numbers<[1], [1], [0], [0], [0, 0, 1, 0], [], []>, transpose_lhs_hint = false} : vector<128x768xf32>, vector<512x768xf32>, vector<128x512xf32> -> vector<128x512xf32>
    %reduce_max3A_593 = arith.constant dense<0xFF800000> : vector<128xf32>
    %reduce_max3A_594 = vector.multi_reduction <maximumf>, %dot_general3A_592, %reduce_max3A_593 [1] : vector<128x512xf32> to vector<128xf32>
    %broadcast_in_dim3A_595 = vector.shape_cast %reduce_max3A_594 : vector<128xf32> to vector<128x1xf32>
    %eq3A_596 = vector.broadcast %broadcast_in_dim3A_595 : vector<128x1xf32> to vector<128x512xf32>
    %eq3A_597 = arith.cmpf oeq, %dot_general3A_592, %eq3A_596 : vector<128x512xf32>
    %jit3A_598 = arith.constant 512 : i32
    %broadcast_in_dim3A_599 = vector.broadcast %jit3A_598 : i32 to vector<128x512xi32>
    %select_n3A_600 = arith.select %eq3A_597, %iota3A, %broadcast_in_dim3A_599 : vector<128x512xi1>, vector<128x512xi32>
    %reduce_min3A_601 = arith.constant dense<2147483647> : vector<128xi32>
    %reduce_min3A_602 = vector.multi_reduction <minsi>, %select_n3A_600, %reduce_min3A_601 [1] : vector<128x512xi32> to vector<128xi32>
    %broadcast_in_dim3A_603 = vector.shape_cast %reduce_min3A_602 : vector<128xi32> to vector<128x1xi32>
    %eq3A_604 = vector.broadcast %broadcast_in_dim3A_603 : vector<128x1xi32> to vector<128x512xi32>
    %eq3A_605 = arith.cmpi eq, %iota3A, %eq3A_604 : vector<128x512xi32>
    %jit3A_606 = arith.constant 0xFF800000 : f32
    %broadcast_in_dim3A_607 = vector.broadcast %jit3A_606 : f32 to vector<128x512xf32>
    %select_n3A_608 = arith.select %eq3A_605, %broadcast_in_dim3A_607, %dot_general3A_592 : vector<128x512xi1>, vector<128x512xf32>
    %reduce_max3A_609 = arith.constant dense<0xFF800000> : vector<128xf32>
    %reduce_max3A_610 = vector.multi_reduction <maximumf>, %select_n3A_608, %reduce_max3A_609 [1] : vector<128x512xf32> to vector<128xf32>
    %broadcast_in_dim3A_611 = vector.shape_cast %reduce_max3A_610 : vector<128xf32> to vector<128x1xf32>
    %eq3A_612 = vector.broadcast %broadcast_in_dim3A_611 : vector<128x1xf32> to vector<128x512xf32>
    %eq3A_613 = arith.cmpf oeq, %select_n3A_608, %eq3A_612 : vector<128x512xf32>
    %jit3A_614 = arith.constant 512 : i32
    %broadcast_in_dim3A_615 = vector.broadcast %jit3A_614 : i32 to vector<128x512xi32>
    %select_n3A_616 = arith.select %eq3A_613, %iota3A, %broadcast_in_dim3A_615 : vector<128x512xi1>, vector<128x512xi32>
    %reduce_min3A_617 = arith.constant dense<2147483647> : vector<128xi32>
    %reduce_min3A_618 = vector.multi_reduction <minsi>, %select_n3A_616, %reduce_min3A_617 [1] : vector<128x512xi32> to vector<128xi32>
    %broadcast_in_dim3A_619 = vector.shape_cast %reduce_min3A_618 : vector<128xi32> to vector<128x1xi32>
    %eq3A_620 = vector.broadcast %broadcast_in_dim3A_619 : vector<128x1xi32> to vector<128x512xi32>
    %eq3A_621 = arith.cmpi eq, %iota3A, %eq3A_620 : vector<128x512xi32>
    %jit3A_622 = arith.constant 0xFF800000 : f32
    %broadcast_in_dim3A_623 = vector.broadcast %jit3A_622 : f32 to vector<128x512xf32>
    %select_n3A_624 = arith.select %eq3A_621, %broadcast_in_dim3A_623, %select_n3A_608 : vector<128x512xi1>, vector<128x512xf32>
    %reduce_max3A_625 = arith.constant dense<0xFF800000> : vector<128xf32>
    %reduce_max3A_626 = vector.multi_reduction <maximumf>, %select_n3A_624, %reduce_max3A_625 [1] : vector<128x512xf32> to vector<128xf32>
    %broadcast_in_dim3A_627 = vector.shape_cast %reduce_max3A_626 : vector<128xf32> to vector<128x1xf32>
    %eq3A_628 = vector.broadcast %broadcast_in_dim3A_627 : vector<128x1xf32> to vector<128x512xf32>
    %eq3A_629 = arith.cmpf oeq, %select_n3A_624, %eq3A_628 : vector<128x512xf32>
    %jit3A_630 = arith.constant 512 : i32
    %broadcast_in_dim3A_631 = vector.broadcast %jit3A_630 : i32 to vector<128x512xi32>
    %select_n3A_632 = arith.select %eq3A_629, %iota3A, %broadcast_in_dim3A_631 : vector<128x512xi1>, vector<128x512xi32>
    %reduce_min3A_633 = arith.constant dense<2147483647> : vector<128xi32>
    %reduce_min3A_634 = vector.multi_reduction <minsi>, %select_n3A_632, %reduce_min3A_633 [1] : vector<128x512xi32> to vector<128xi32>
    %broadcast_in_dim3A_635 = vector.shape_cast %reduce_min3A_634 : vector<128xi32> to vector<128x1xi32>
    %eq3A_636 = vector.broadcast %broadcast_in_dim3A_635 : vector<128x1xi32> to vector<128x512xi32>
    %eq3A_637 = arith.cmpi eq, %iota3A, %eq3A_636 : vector<128x512xi32>
    %jit3A_638 = arith.constant 0xFF800000 : f32
    %broadcast_in_dim3A_639 = vector.broadcast %jit3A_638 : f32 to vector<128x512xf32>
    %select_n3A_640 = arith.select %eq3A_637, %broadcast_in_dim3A_639, %select_n3A_624 : vector<128x512xi1>, vector<128x512xf32>
    %reduce_max3A_641 = arith.constant dense<0xFF800000> : vector<128xf32>
    %reduce_max3A_642 = vector.multi_reduction <maximumf>, %select_n3A_640, %reduce_max3A_641 [1] : vector<128x512xf32> to vector<128xf32>
    %broadcast_in_dim3A_643 = vector.shape_cast %reduce_max3A_642 : vector<128xf32> to vector<128x1xf32>
    %eq3A_644 = vector.broadcast %broadcast_in_dim3A_643 : vector<128x1xf32> to vector<128x512xf32>
    %eq3A_645 = arith.cmpf oeq, %select_n3A_640, %eq3A_644 : vector<128x512xf32>
    %jit3A_646 = arith.constant 512 : i32
    %broadcast_in_dim3A_647 = vector.broadcast %jit3A_646 : i32 to vector<128x512xi32>
    %select_n3A_648 = arith.select %eq3A_645, %iota3A, %broadcast_in_dim3A_647 : vector<128x512xi1>, vector<128x512xi32>
    %reduce_min3A_649 = arith.constant dense<2147483647> : vector<128xi32>
    %reduce_min3A_650 = vector.multi_reduction <minsi>, %select_n3A_648, %reduce_min3A_649 [1] : vector<128x512xi32> to vector<128xi32>
    %broadcast_in_dim3A_651 = vector.shape_cast %reduce_min3A_650 : vector<128xi32> to vector<128x1xi32>
    %eq3A_652 = vector.broadcast %broadcast_in_dim3A_651 : vector<128x1xi32> to vector<128x512xi32>
    %eq3A_653 = arith.cmpi eq, %iota3A, %eq3A_652 : vector<128x512xi32>
    %jit3A_654 = arith.constant 0xFF800000 : f32
    %broadcast_in_dim3A_655 = vector.broadcast %jit3A_654 : f32 to vector<128x512xf32>
    %select_n3A_656 = arith.select %eq3A_653, %broadcast_in_dim3A_655, %select_n3A_640 : vector<128x512xi1>, vector<128x512xf32>
    %reduce_max3A_657 = arith.constant dense<0xFF800000> : vector<128xf32>
    %reduce_max3A_658 = vector.multi_reduction <maximumf>, %select_n3A_656, %reduce_max3A_657 [1] : vector<128x512xf32> to vector<128xf32>
    %broadcast_in_dim3A_659 = vector.shape_cast %reduce_max3A_658 : vector<128xf32> to vector<128x1xf32>
    %eq3A_660 = vector.broadcast %broadcast_in_dim3A_659 : vector<128x1xf32> to vector<128x512xf32>
    %eq3A_661 = arith.cmpf oeq, %select_n3A_656, %eq3A_660 : vector<128x512xf32>
    %jit3A_662 = arith.constant 512 : i32
    %broadcast_in_dim3A_663 = vector.broadcast %jit3A_662 : i32 to vector<128x512xi32>
    %select_n3A_664 = arith.select %eq3A_661, %iota3A, %broadcast_in_dim3A_663 : vector<128x512xi1>, vector<128x512xi32>
    %reduce_min3A_665 = arith.constant dense<2147483647> : vector<128xi32>
    %reduce_min3A_666 = vector.multi_reduction <minsi>, %select_n3A_664, %reduce_min3A_665 [1] : vector<128x512xi32> to vector<128xi32>
    %broadcast_in_dim3A_667 = vector.shape_cast %reduce_min3A_666 : vector<128xi32> to vector<128x1xi32>
    %mul3A_668 = arith.constant 6 : i32
    %mul3A_669 = arith.muli %arg0, %mul3A_668 : i32
    %add3A_670 = arith.constant 5 : i32
    %add3A_671 = arith.addi %mul3A_669, %add3A_670 : i32
    %mul3A_672 = arith.constant 512 : i32
    %mul3A_673 = arith.muli %add3A_671, %mul3A_672 : i32
    %concatenate3A_674 = tpu.concatenate %broadcast_in_dim3A_603, %broadcast_in_dim3A_619, %broadcast_in_dim3A_635, %broadcast_in_dim3A_651, %broadcast_in_dim3A_667 in 1 : vector<128x1xi32>, vector<128x1xi32>, vector<128x1xi32>, vector<128x1xi32>, vector<128x1xi32> -> vector<128x5xi32>
    %add3A_675 = vector.broadcast %mul3A_673 : i32 to vector<128x5xi32>
    %add3A_676 = arith.addi %concatenate3A_674, %add3A_675 : vector<128x5xi32>
    %swap3A_677 = arith.constant 5 : index
    %swap3A_678 = arith.constant 0 : index
    %swap3A_679 = arith.constant 0 : index
    %swap3A_680 = vector.load %arg5[%swap3A_677, %swap3A_678, %swap3A_679] : memref<6x128x5xi32, #tpu.memory_space<vmem>>, vector<1x128x5xi32>
    %swap3A_681 = vector.shape_cast %swap3A_680 : vector<1x128x5xi32> to vector<128x5xi32>
    %swap3A_682 = vector.shape_cast %add3A_676 : vector<128x5xi32> to vector<1x128x5xi32>
    tpu.vector_store %arg5[%swap3A_677, %swap3A_678, %swap3A_679], %swap3A_682 {strides = array<i32>} : memref<6x128x5xi32, #tpu.memory_space<vmem>>, vector<1x128x5xi32>,
    return
  }
  func.func @transform_0(%arg0: i32) -> (i32, i32, i32) {
    %c0_i32 = arith.constant 0 : i32
    %c0_i32_0 = arith.constant 0 : i32
    %c0_i32_1 = arith.constant 0 : i32
    return %arg0, %c0_i32, %c0_i32_0 : i32, i32, i32
  }
  func.func @transform_1(%arg0: i32) -> (i32, i32, i32) {
    %c0_i32 = arith.constant 0 : i32
    %c0_i32_0 = arith.constant 0 : i32
    %c0_i32_1 = arith.constant 0 : i32
    return %arg0, %c0_i32, %c0_i32_0 : i32, i32, i32
  }
  func.func @transform_2(%arg0: i32) -> (i32, i32, i32) {
    %c0_i32 = arith.constant 0 : i32
    %c0_i32_0 = arith.constant 0 : i32
    %c0_i32_1 = arith.constant 0 : i32
    return %arg0, %c0_i32, %c0_i32_0 : i32, i32, i32
  }
  func.func @transform_3(%arg0: i32) -> (i32, i32, i32) {
    %c0_i32 = arith.constant 0 : i32
    %c0_i32_0 = arith.constant 0 : i32
    %c0_i32_1 = arith.constant 0 : i32
    return %arg0, %c0_i32, %c0_i32_0 : i32, i32, i32
  }
  func.func @transform_4(%arg0: i32) -> (i32, i32, i32) {
    %c0_i32 = arith.constant 0 : i32
    %c0_i32_0 = arith.constant 0 : i32
    %c0_i32_1 = arith.constant 0 : i32
    return %arg0, %c0_i32, %c0_i32_0 : i32, i32, i32
  }
}

</mosaic_0001>

<sc_bundles>
// kernel: kernel.4.cloned.1.call-start
scs
__scs_entry_jumppad:
0x0: {  	(pc) =	sbr.rel $0x88, $3  }
0x1: {  	(tag) =	ssettag $0x0;
	lr =	simm.s32 $0x1  }
0x2: {  	[smem:$0x3F9E] =	sst lr;
	_ =	strace $0xD0000000  }
0x3: {  	_ = 	snop  }
0x4: {  	_ = 	snop  }
0x5: {  	_ = 	snop  }
0x6: {  	_ = 	snop  }
0x7: {  	_ = 	snop  }
__scs_overlays_trampoline_lowered:
0x8: {  	[smem:$0x3FAD] =	sst s0  }
0x9: {  	[smem:$0x3FAE] =	sst s1  }
0xa: {  	[smem:$0x3FAF] =	sst s2  }
0xb: {  	[smem:$0x3FB0] =	sst s3  }
0xc: {  	[smem:$0x3FB1] =	sst s4  }
0xd: {  	[smem:$0x3FB2] =	sst s5  }
0xe: {  	[smem:$0x3FB3] =	sst s6  }
0xf: {  	[smem:$0x3FB4] =	sst s7  }
0x10: {  	[smem:$0x3FB5] =	sst s8  }
0x11: {  	[smem:$0x3FB6] =	sst s9;
	s0 =	simm.s32 @!p0 $0x0  }
0x12: {  	s1 =	sld [smem:$0x3F9C];
	s0 =	simm.s32 @p0 $0x1  }
0x13: {  	[smem:$0x3FB7] =	sst s0;
	s0 =	simm.s32 @!p1 $0x0  }
0x14: {  	s2 =	sld [smem:$0x3F9B];
	s0 =	simm.s32 @p1 $0x1  }
0x15: {  	[smem:$0x3FB8] =	sst s0;
	s0 =	simm.s32 @!p2 $0x0  }
0x16: {  	s3 =	sld [smem:$0x3FDB];
	s0 =	simm.s32 @p2 $0x1  }
0x17: {  	s4 =	simm.s32 $0x1BF5;
	[smem:$0x3FBA] =	sst s0  }
0x18: {  	s0 =	sld [smem:$0x3F9D];
	_ =	swait.ge [sflag:s4], $0x0  }
0x19: {  	s7 =	sld [smem:$0x3F9E]  }
0x1a: {  	s8 =	sadd.s32 $0xFFFFE003, lr  }
0x1b: {  	s9 =	sadd.s32 $0xFFFFFEF7, lr;
	s5 =	simm.s32 $0xFFFFFFFF;
	p2 =	slt.u32 s8, $0xFFFFF086  }
0x1c: {  	p1 =	slt.u32 s9, $0xF7A;
	s5 =	simm.s32 @!p2 $0x0  }
0x1d: {  	s5 =	simm.s32 @p1 $0x1;
	p0 =	seq.s32 s7, s2  }
0x1e: {  	s7 =	smul.u32 @!p0 $0xF7A, s2;
	p2 =	seq.s32 @!p0 s5, $0x0  }
0x1f: {  	s9 =	smul.u32 $0xF7A, s1;
	s8 =	simm.s32 @!p0 $0x1BF5;
	p2 =	por !p2, p0  }
0x20: {  	[sflag:s8] =	ssyncset.s32 @!p0 $0xFFFFF086;
	s6 =	sadd.s32 @!p0 s3, s7;
	s7 =	simm.s32 @!p0 $0x108  }
0x21: {  	s3 =	sadd.s32 s3, s9;
	s6 =	sadd.s32 @!p0 $0x88, s6;
	s7 =	simm.s32 @p2 $0x1082  }
0x22: {  	[simem:s7], [sflag:s8] =	dma.local @!p0 [hbm:s6], $0xF7A  }
0x23: {  	s9 =	sor.u32 $0xD0000000, s2;
	s6 =	simm.s32 $0x108;
	_ =	swait.ge @!p0 [sflag:s8], $0x0  }
0x24: {  	s3 =	sadd.s32 $0x88, s3;
	s6 =	simm.s32 @!p1 $0x1082;
	[sflag:s4] =	ssyncset.s32 $0xFFFFF086  }
0x25: {  	[simem:s6], [sflag:s4] =	dma.local [hbm:s3], $0xF7A  }
0x26: {  	[smem:$0x3F9E] =	sst s1;
	(tag) =	ssettag s2;
	_ =	strace s9  }
0x27: {  	s1 =	sld [smem:$0x3FAE]  }
0x28: {  	s2 =	sld [smem:$0x3FAF]  }
0x29: {  	s4 =	sld [smem:$0x3FB1]  }
0x2a: {  	p0 =	seq.s32 s5, $0x0;
	s5 =	sld [smem:$0x3FB2]  }
0x2b: {  	s6 =	sld [smem:$0x3FB3]  }
0x2c: {  	s7 =	sld [smem:$0x3FB4]  }
0x2d: {  	s3 =	simm.s32 $0x108;
	s8 =	sld [smem:$0x3FB5]  }
0x2e: {  	s3 =	simm.s32 @!p0 $0x1082;
	s9 =	sld [smem:$0x3FB6]  }
0x2f: {  	lr =	sadd.s32 s0, s3;
	s0 =	sld [smem:$0x3FAD]  }
0x30: {  	s3 =	sld [smem:$0x3FB0]  }
0x31: {  	[smem:$0x3FB9] =	sst s10  }
0x32: {  	s10 =	sld [smem:$0x3FB7];
	_ =	sdelay $0x3  }
0x33: {  	p0 =	seq.s32 s10, $0x1;
	s10 =	sld [smem:$0x3FB9];
	_ =	sdelay $0x3  }
0x34: {  	[smem:$0x3FB9] =	sst s10  }
0x35: {  	s10 =	sld [smem:$0x3FB8];
	_ =	sdelay $0x3  }
0x36: {  	p1 =	seq.s32 s10, $0x1;
	s10 =	sld [smem:$0x3FB9];
	_ =	sdelay $0x3  }
0x37: {  	[smem:$0x3FB9] =	sst s10  }
0x38: {  	s10 =	sld [smem:$0x3FBA]  }
0x39: {  	_ = 	snop;
	(pc) =	sbr.ind lr, $3  }
0x3a: {  	_ = 	snop  }
0x3b: {  	_ = 	snop  }
0x3c: {  	p2 =	seq.s32 s10, $0x1;
	s10 =	sld [smem:$0x3FB9]  }
0x3d: {  	_ =	shalt  }
0x3e: {  	_ =	shalt  }
0x3f: {  	_ =	shalt  }
0x40: {  	_ =	shalt  }
0x41: {  	_ =	shalt  }
0x42: {  	_ =	shalt  }
0x43: {  	_ =	shalt  }
0x44: {  	_ =	shalt  }
0x45: {  	_ =	shalt  }
0x46: {  	_ =	shalt  }
0x47: {  	_ =	shalt  }
0x48: {  	_ =	shalt  }
0x49: {  	_ =	shalt  }
0x4a: {  	_ =	shalt  }
0x4b: {  	_ =	shalt  }
0x4c: {  	_ =	shalt  }
0x4d: {  	_ =	shalt  }
0x4e: {  	_ =	shalt  }
0x4f: {  	_ =	shalt  }
0x50: {  	_ =	shalt  }
0x51: {  	_ =	shalt  }
0x52: {  	_ =	shalt  }
0x53: {  	_ =	shalt  }
0x54: {  	_ =	shalt  }
0x55: {  	_ =	shalt  }
0x56: {  	_ =	shalt  }
0x57: {  	_ =	shalt  }
0x58: {  	_ =	shalt  }
0x59: {  	_ =	shalt  }
0x5a: {  	_ =	shalt  }
0x5b: {  	_ =	shalt  }
0x5c: {  	_ =	shalt  }
0x5d: {  	_ =	shalt  }
0x5e: {  	_ =	shalt  }
0x5f: {  	_ =	shalt  }
0x60: {  	_ =	shalt  }
0x61: {  	_ =	shalt  }
0x62: {  	_ =	shalt  }
0x63: {  	_ =	shalt  }
0x64: {  	_ =	shalt  }
0x65: {  	_ =	shalt  }
0x66: {  	_ =	shalt  }
0x67: {  	_ =	shalt  }
0x68: {  	_ =	shalt  }
0x69: {  	_ =	shalt  }
0x6a: {  	_ =	shalt  }
0x6b: {  	_ =	shalt  }
0x6c: {  	_ =	shalt  }
0x6d: {  	_ =	shalt  }
0x6e: {  	_ =	shalt  }
0x6f: {  	_ =	shalt  }
0x70: {  	_ =	shalt  }
0x71: {  	_ =	shalt  }
0x72: {  	_ =	shalt  }
0x73: {  	_ =	shalt  }
0x74: {  	_ =	shalt  }
0x75: {  	_ =	shalt  }
0x76: {  	_ =	shalt  }
0x77: {  	_ =	shalt  }
0x78: {  	_ =	shalt  }
0x79: {  	_ =	shalt  }
0x7a: {  	_ =	shalt  }
0x7b: {  	_ =	shalt  }
0x7c: {  	_ =	shalt  }
0x7d: {  	_ =	shalt  }
0x7e: {  	_ =	shalt  }
0x7f: {  	_ =	shalt  }
0x80: {  	_ =	shalt  }
0x81: {  	_ =	shalt  }
0x82: {  	_ =	shalt  }
0x83: {  	_ =	shalt  }
0x84: {  	_ =	shalt  }
0x85: {  	_ =	shalt  }
0x86: {  	_ =	shalt  }
0x87: {  	_ =	shalt  }
.Lfunc_end0:
.L_simem_size_0:
called_computation_lowered:
.L_overlay_start_0:
0x88: {  	s2 =	sld [smem:$0x3FD9]  }
0x89: {  	s3 =	sld [smem:$0x3FFE];
	_ =	sdelay $0x1  }
0x8a: {  	s1 =	srdreg.scid  }
0x8b: {  	s0 =	sand.u32 $0x1, s1  }
0x8c: {  	s14 =	sshll.u32 s0, $0xA;
	s2 =	sadd.s32 s3, s2  }
0x8d: {  	s2 =	sadd.s32 s2, s14  }
0x8e: {  	[smem:$0x3FC5] =	sst s2  }
0x8f: {  	_ = 	snop  }
0x90: {  	s2 =	sld [smem:$0x3FD0];
	_ =	sdelay $0x2  }
0x91: {  	s4 =	simm.s32 $0xA;
	s5 =	simm.s32 $0x10;
	s15 =	sld [smem:$0x3FC7]  }
0x92: {  	[smem:s5], [sflag:s4] =	dma.local [hbm:s2], $0x1  }
0x93: {  	_ =	swait.eq [sflag:s4], $0x1  }
0x94: {  	[sflag:s4] =	ssyncset.done $0x0  }
0x95: {  	[sflag:s4] =	ssyncadd.s32 $0xFFFFFFFF  }
0x96: {  	s16 =	sld [smem:$0x10];
	(tm) =	ssettm $0x1  }
0x97: {  	s17 =	sld [smem:$0x3FFB];
	_ =	sdelay $0x3  }
0x98: {  	_ =	strace s17  }
0x99: {  	s4 =	sld [smem:$0x3FFC];
	_ =	sdelay $0x3  }
0x9a: {  	_ =	strace s4  }
0x9b: {  	s4 =	sld [smem:$0x3FFD];
	_ =	sdelay $0x3  }
0x9c: {  	_ =	strace s4  }
0x9d: {  	_ =	strace $0x8FFFFFFF  }
0x9e: {  	s18 =	sld [smem:$0x3FDB];
	_ =	sdelay $0x1  }
0x9f: {  	s19 =	simm.s32 $_scs_section_size  }
0xa0: {  	s6 =	simm.s32 $_size__tile_overlayer_lowered;
	s7 =	simm.s32 $_tile_overlayer_lowered  }
0xa1: {  	s22 =	simm.s32 $0x1BFF;
	s21 =	sshll.u32 s7, $0x1;
	s4 =	sadd.s32 s19, s18  }
0xa2: {  	s8 =	simm.s32 $0x0;
	s20 =	sshll.u32 s6, $0x1;
	s6 =	sadd.s32 s21, s4  }
0xa3: {  	[timem:s8], [sflag:s22] =	dma.local [hbm:s6], s20  }
0xa4: {  	_ =	swait.ge [sflag:s22], s20  }
0xa5: {  	s5 =	ssub.s32 $0x0, s20;
	[sflag:s22] =	ssyncset.done $0x0  }
0xa6: {  	[sflag:s22] =	ssyncadd.s32 s5;
	_ =	sdelay $0x1  }
0xa7: {  	s23 =	simm.s32 $0x1B8B  }
0xa8: {  	_ =	swait.ge [sflag:s23], $0x1  }
0xa9: {  	[sflag:s23] =	ssyncset.done $0x0  }
0xaa: {  	s25 =	simm.s32 $0x1B8E;
	s24 =	sld [smem:$0x3FFE];
	[sflag:s23] =	ssyncadd.s32 $0xFFFFFFFF  }
0xab: {  	s26 =	simm.s32 $execute0_lowered;
	[smem:$0x3FD2] =	sst s25  }
0xac: {  	s6 =	sshll.u32 s26, $0x1;
	_ =	strace $0x80000046;
	[dreg:$0x1] =	wrdreg $0xFFFFFFFF  }
0xad: {  	s28 =	simm.s32 $_size_execute0_lowered;
	s4 =	sadd.s32 s4, s6;
	[dreg:$0x0] =	wrdreg $0x0  }
0xae: {  	s6 =	sshll.u32 s28, $0x1;
	[dreg:$0x2] =	wrdreg s4  }
0xaf: {  	[dreg:$0x3] =	wrdreg s6  }
0xb0: {  	[dreg:$0x4] =	wrdreg $0xC0  }
0xb1: {  	_ =	task [dreg:s8], $0x5FFFF  }
0xb2: {  	[dreg:$0x1] =	wrdreg $0xFFFFFFFF  }
0xb3: {  	[dreg:$0x0] =	wrdreg $0x60  }
0xb4: {  	[dreg:$0x2] =	wrdreg s15  }
0xb5: {  	[dreg:$0x3] =	wrdreg s24  }
0xb6: {  	[dreg:$0x4] =	wrdreg s16  }
0xb7: {  	[dreg:$0x5] =	wrdreg $0x9  }
0xb8: {  	_ =	task.clear_ibuf [dreg:s8], $0x6FFFF;
	_ =	strace $0x90000046  }
0xb9: {  	s29 =	simm.s32 $0x9;
	_ =	strace $0x80000048  }
0xba: {  	_ =	swait.ge [sflag:s29], $0x1  }
0xbb: {  	[sflag:s29] =	ssyncadd.s32 $0xFFFFFFFF  }
0xbc: {  	_ =	strace $0x90000048  }
0xbd: {  	_ =	sfence  }
0xbe: {  	s30 =	sld [smem:$0x0];
	_ =	sdelay $0x2  }
0xbf: {  	s31 =	sshll.u32 s1, $0xD;
	s1 =	sshrl.u32 s1, $0x2  }
0xc0: {  	s3 =	sand.u32 $0x4000, s31;
	s1 =	sadd.s32 s1, s30  }
0xc1: {  	s0 =	sor.u32 s3, s0;
	s1 =	sshll.u32 s1, $0x11  }
0xc2: {  	s0 =	sor.u32 s1, s0  }
0xc3: {  	s0 =	sadd.s32 $0x8F2B, s0  }
0xc4: {  	[sflag:s0] =	ssyncadd.remote.s32 $0x1  }
0xc5: {  	_ =	sfence.sel $0xFFFF  }
0xc6: {  	[dreg:$0x0] =	wrdreg $0xFFFFFFFF;
	(pc) =	sbr.abs _section_cstart, $3  }
0xc7: {  	[dreg:$0x1] =	wrdreg $0xFFFFFFFF  }
0xc8: {  	_ =	task.clear_ibuf [dreg:s8], $0x2FFFF;
	_ =	strace $0x9FFFFFFF  }
0xc9: {  	(tm) =	ssettm $0x7FFFFFFF  }
tec
execute0_lowered:
.L_overlay_start_1:
0x0: {  	(tag) =	ssettag $0x1  }
0x1: {  	s1 =	rddreg [dreg:$0x0]  }
0x2: {  	s2 =	srdreg.scid;
	s5 =	rddreg [dreg:$0x1]  }
0x3: {  	s0 =	stileid.u32;
	s3 =	rddreg [dreg:$0x2]  }
0x4: {  	s4 =	simm.s32 $0x0;
	s9 =	simm.s32 $0xC00;
	s10 =	simm.s32 $0x2  }
0x5: {  	s11 =	simm.s32 $0xFC00;
	s12 =	simm.s32 $0x3;
	s13 =	simm.s32 $0x4  }
0x6: {  	s14 =	simm.s32 $0x1;
	s6 =	sand.u32 $0x1, s2;
	s30 =	sshll.u32 s0, $0x1  }
.Ltmp0:
0x7: {  	s15 =	simm.s32 $0x0;
	s7 =	sor.u32 s6, s30;
	(pc) =	sbr.rel .LBB2_1-.Ltmp0, $4  }
0x8: {  	[smem:$0x7FF] =	sst s4;
	s6 =	ssub.s32 $0x2, s6;
	s8 =	smul.u32 $0x180, s7  }
0x9: {  	s2 =	rddreg [dreg:$0x3];
	_ =	strace $0x80000047;
	s31 =	sshrl.u32 s6, $0x1  }
0xa: {  	s5 =	sadd.s32 s8, s5;
	s8 =	ssub.s32 s6, s31;
	s6 =	smul.u32 $0xF0, s7  }
0xb: {  	vm0 =	vmmov $0x3ff;
	v0 =	vlaneseq.u32;
	s5 =	sadd.s32 $0x200, s5;
	s7 =	smax.u32 s8, $0x1;
	s8 =	simm.s32 $0x5  }
.LBB2_7:
0xc: {  	s15 =	sadd.s32 $0x1, s15  }
0xd: {  	_ =	swait.ge [sflag:s12], $0xF000;
	p0 =	sne.s32 s15, s7  }
.Ltmp1:
0xe: {  	[sflag:s12] =	ssyncset.done $0x0;
	(pc) =	sbr.rel @!p0 .LBB2_8-.Ltmp1, $4  }
0xf: {  	[sflag:s12] =	ssyncadd.s32 $0xFFFF1000  }
0x10: {  	_ =	swait.ge [sflag:s13], $0xF000  }
0x11: {  	[sflag:s13] =	ssyncset.done $0x0  }
0x12: {  	[sflag:s13] =	ssyncadd.s32 $0xFFFF1000  }
.LBB2_1:
0x13: {  	[tilespmem:s4], [sflag:$0x5] =	stream.linear.gather [hbm4b:s5+s4], $0xC00, $0x38;
	[tilespmem:$0x1EC00] =	vst v63  }
0x14: {  	_ =	swait.ge [sflag:s8], $0xC00  }
0x15: {  	[sflag:s8] =	ssyncset.done $0x0  }
0x16: {  	[sflag:s8] =	ssyncadd.s32 $0xFFFFF400  }
0x17: {  	v1 =	vld.msk [tilespmem:$0x0], $0x3ff;
	_ =	sdelay $0x4  }
0x18: {  	v1 =	vmul.u32 $0x1800, v1;
	_ =	sdelay $0x1  }
0x19: {  	v1 =	vperm.xlane v1, v0;
	_ =	sdelay $0x1  }
.Ltmp2:
0x1a: {  	_ = 	snop;
	(pc) =	sbr.rel .LBB2_2-.Ltmp2, $3  }
0x1b: {  	_ =	sdelay $0x1  }
0x1c: {  	s16 =	simm.s32 $0x0  }
0x1d: {  	[tilespmem:s9], [sflag:$0x1] =	stream.indirect_vreg.gather [hbm4b:s1+s4], $0x1800, v1, vm0, $0x38;
	[tilespmem:$0x1EC00] =	vst v63  }
.LBB2_3:
0x1e: {  	_ =	swait.ge [sflag:s14], $0xF000;
	s17 =	smul.u32 $0x300, s17  }
0x1f: {  	[sflag:s14] =	ssyncset.done $0x0  }
0x20: {  	[sflag:s14] =	ssyncadd.s32 $0xFFFF1000;
	s17 =	sadd.s32 s3, s17  }
0x21: {  	[hbm4b:s17+s4] =	stream.linear.scatter [tilespmem:s9], [sflag:$0x3], $0xF000, $0x38;
	[tilespmem:$0x1EC00] =	vst v63  }
0x22: {  	s17 =	sor.u32 $0x1, s16  }
.LBB2_6:
0x23: {  	s18 =	sand.u32 $0x1, s17  }
0x24: {  	p0 =	seq.s32 s18, $0x0  }
0x25: {  	p1 =	seq.s32 @!p0 s16, $0x0  }
0x26: {  	p1 =	por p1, p0  }
0x27: {  	s16 =	simm.s32 @!p1 $0x4  }
0x28: {  	_ =	swait.ge @!p1 [sflag:s16], $0xF000  }
0x29: {  	s18 =	sshll.u32 @!p0 s17, $0x7;
	[sflag:s16] =	ssyncset.done @!p1 $0x0  }
0x2a: {  	[sflag:s16] =	ssyncadd.s32 @!p1 $0xFFFF1000;
	s16 =	sand.u32 @!p0 $0x3FFFFF80, s18  }
0x2b: {  	v1 =	vld.msk @!p0 [tilespmem:s16+$0x0], $0x3ff;
	_ =	sdelay $0x4  }
0x2c: {  	v1 =	vmul.u32 @!p0 $0x1800, v1  }
0x2d: {  	v2 =	vlaneseq.u32 @!p0  }
0x2e: {  	v1 =	vperm.xlane @!p0 v1, v2;
	_ =	sdelay $0x4  }
0x2f: {  	vm1 =	vmmov @!p0 $0x3ff;
	s18 =	simm.s32 @!p0 $0xFC00;
	s16 =	simm.s32 @!p0 $0x0  }
0x30: {  	[tilespmem:s18], [sflag:$0x2] =	stream.indirect_vreg.gather @!p0 [hbm4b:s1+s16], $0x1800, v1, vm1, $0x38;
	[tilespmem:$0x1EC00] =	vst v63  }
0x31: {  	p0 =	slt.u32 s17, $0x18  }
.Ltmp3:
0x32: {  	_ = 	snop;
	(pc) =	sbr.rel @!p0 .LBB2_7-.Ltmp3, $2  }
0x33: {  	_ =	sdelay $0x2  }
0x34: {  	s16 =	smov.u32 s17  }
.LBB2_2:
0x35: {  	s17 =	sand.u32 $0x1, s16  }
0x36: {  	p0 =	seq.s32 s17, $0x1  }
.Ltmp4:
0x37: {  	_ = 	snop;
	(pc) =	sbr.rel @!p0 .LBB2_3-.Ltmp4, $3  }
0x38: {  	_ = 	snop  }
0x39: {  	s18 =	smul.u32 $0xA, s16;
	_ =	sdelay $0x1  }
0x3a: {  	s17 =	sadd.s32 s6, s18  }
0x3b: {  	p0 =	seq.s32 s16, $0x17  }
.Ltmp5:
0x3c: {  	_ = 	snop;
	(pc) =	sbr.rel @p0 .LBB2_7-.Ltmp5, $4  }
0x3d: {  	s17 =	smul.u32 $0x300, s17;
	_ =	swait.ge [sflag:s10], $0xF000  }
0x3e: {  	[sflag:s10] =	ssyncset.done $0x0  }
0x3f: {  	s17 =	sadd.s32 s3, s17;
	[sflag:s10] =	ssyncadd.s32 $0xFFFF1000  }
0x40: {  	[hbm4b:s17+s4] =	stream.linear.scatter [tilespmem:s11], [sflag:$0x4], $0xF000, $0x38;
	[tilespmem:$0x1EC00] =	vst v63  }
0x41: {  	s17 =	sadd.s32 $0x1, s16;
	_ =	swait.ge [sflag:s12], $0xF000  }
0x42: {  	[sflag:s12] =	ssyncset.done $0x0;
	s18 =	sshll.u32 s17, $0x7  }
0x43: {  	[sflag:s12] =	ssyncadd.s32 $0xFFFF1000;
	s18 =	sand.u32 $0x3FFFFF80, s18  }
0x44: {  	v1 =	vld.msk [tilespmem:s18+$0x0], $0x3ff;
	_ =	sdelay $0x4  }
0x45: {  	v1 =	vmul.u32 $0x1800, v1;
	_ =	sdelay $0x1  }
0x46: {  	v1 =	vperm.xlane v1, v0;
	_ =	sdelay $0x1  }
.Ltmp6:
0x47: {  	_ = 	snop;
	(pc) =	sbr.rel .LBB2_6-.Ltmp6, $2  }
0x48: {  	_ =	sdelay $0x2  }
0x49: {  	[tilespmem:s9], [sflag:$0x1] =	stream.indirect_vreg.gather [hbm4b:s1+s4], $0x1800, v1, vm0, $0x38;
	[tilespmem:$0x1EC00] =	vst v63  }
.LBB2_8:
0x4a: {  	_ =	sfence.sel $0x180000  }
0x4b: {  	[bflag:$0x0] =	sbarrier.arrive $0xFFFF  }
0x4c: {  	p0 =	sne.s32 s0, $0x0;
	_ =	strace $0x90000047  }
0x4d: {  	s0 =	sadd.s32 @!p0 $0x100000, s2;
	[bflag:$0x2] =	sbarrier.arrive $0xFFFF  }
0x4e: {  	[sflag:s0] =	ssyncadd.tile.s32 @!p0 $0x1;
	_ =	shalt  }
.Lfunc_end2:
_tile_overlayer_lowered:
.L_overlay_start_2:
0x4f: {  	(tag) =	ssettag $0x2  }
0x50: {  	s0 =	rddreg [dreg:$0x0];
	s2 =	stileid.u32  }
0x51: {  	s1 =	rddreg [dreg:$0x1];
	p0 =	sne.s32 s2, $0x0  }
0x52: {  	s3 =	rddreg [dreg:$0x2];
	[bflag:$0x3] =	sbarrier.arrive $0xFFFF;
	s2 =	simm.s32 @!p0 $0x1C05  }
0x53: {  	[timem:s3], [sflag:s2] =	dma.local @!p0 [hbm:s0], s1  }
0x54: {  	s0 =	simm.s32 @!p0 $0x5  }
0x55: {  	_ =	swait.ge @!p0 [sflag:s0], s1  }
0x56: {  	s1 =	ssub.s32 @!p0 $0x0, s1;
	[sflag:s0] =	ssyncset.done @!p0 $0x0  }
0x57: {  	[sflag:s0] =	ssyncadd.s32 @!p0 s1  }
0x58: {  	[bflag:$0x3] =	sbarrier.arrive $0xFFFF  }
0x59: {  	_ =	shalt  }

</sc_bundles>
